<compile_context>
chip_gen: v7x
topology: tpu7x:2x2x1
jax: 0.10.2.dev20260603
libtpu: 0.0.44.dev20260713+nightly
codegen_flags: <defaults>
</compile_context>

<pallas_src>
import functools

import jax
import jax.numpy as jnp
from jax import lax
from jax.experimental import pallas as pl
from jax.experimental.pallas import tpu as pltpu
from jax.experimental.pallas import tpu_sc as plsc

N = 10000
E = 320000
IN_CH = 128
HID = 256
OUT_CH = 16
NG = 64

NC, NS = 2, 16
NW = NC * NS
CB = 80
EC = E // CB
NPAD = 10240
RPT = NPAD // NS
BT = 2000
GRID = N // BT
CPTA = EC // NS
CPTH = EC // NW
NB = 4
IC = 25



def _sc_agg_body(OUTER):

    def body(table, gidx, cidx, zeros, out, shared, gidx_v, cidx_v, rows_v,
             gsem, ssem):
        c = lax.axis_index("c")
        s = lax.axis_index("s")
        wid = c * NS + s
        pltpu.sync_copy(zeros, shared.at[pl.ds(s * RPT, RPT)])
        plsc.subcore_barrier()

        def buf(q):
            return rows_v.at[pl.ds(lax.rem(q, NB) * CB, CB)]

        def fire_gather(q):
            pltpu.async_copy(table.at[gidx_v.at[q]], buf(q), gsem)

        def fire_scatter(q):
            pltpu.async_copy(buf(q), shared.at[cidx_v.at[q]], ssem, add=True)

        def absorb(sem):
            pltpu.make_async_copy(table.at[pl.ds(0, CB)],
                                  rows_v.at[pl.ds(0, CB)], sem).wait()

        def outer(o, carry):
            blk = wid * OUTER + o
            pltpu.sync_copy(gidx.at[blk], gidx_v)
            pltpu.sync_copy(cidx.at[blk], cidx_v)
            fire_gather(0)
            fire_gather(1)

            def inner(j, carry2):
                @pl.when(j >= 2)
                def _():
                    absorb(ssem)

                @pl.when(j <= IC - 3)
                def _():
                    fire_gather(j + 2)

                @pl.when(j <= IC - 1)
                def _():
                    absorb(gsem)
                    fire_scatter(j)

                return carry2

            lax.fori_loop(0, IC + 2, inner, 0)
            return carry

        lax.fori_loop(0, OUTER, outer, 0)
        plsc.subcore_barrier()
        pltpu.sync_copy(shared.at[pl.ds(s * RPT, RPT)], out.at[wid])

    return body


@functools.lru_cache(maxsize=None)
def _make_sc_agg(OUTER):
    return functools.partial(
        pl.kernel,
        out_type=jax.ShapeDtypeStruct((NW, RPT, 128), jnp.float32),
        mesh=plsc.VectorSubcoreMesh(core_axis_name="c", subcore_axis_name="s",
                                    num_cores=NC, num_subcores=NS),
        scratch_types=[
            pltpu.VMEM_SHARED((NPAD, 128), jnp.float32),
            pltpu.VMEM((IC, CB), jnp.int32),
            pltpu.VMEM((IC, CB), jnp.int32),
            pltpu.VMEM((NB * CB, 128), jnp.float32),
            pltpu.SemaphoreType.DMA,
            pltpu.SemaphoreType.DMA,
        ],
    )(_sc_agg_body(OUTER))


def _sc_hist_body(cidx, ones, zeros, out, shared, cidx_v, ones_v, ssem):
    OUTER = CPTH // IC
    c = lax.axis_index("c")
    s = lax.axis_index("s")
    wid = c * NS + s
    pltpu.sync_copy(zeros, shared.at[pl.ds(s * RPT, RPT)])
    pltpu.sync_copy(ones, ones_v)
    plsc.subcore_barrier()

    def absorb():
        pltpu.make_async_copy(zeros.at[pl.ds(0, CB)], ones_v, ssem).wait()

    def outer(o, carry):
        pltpu.sync_copy(cidx.at[wid * OUTER + o], cidx_v)

        def step(j, carry2):
            pltpu.async_copy(ones_v, shared.at[cidx_v.at[j]], ssem, add=True)

            @pl.when(j >= 4)
            def _():
                absorb()

            return carry2

        lax.fori_loop(0, IC, step, 0)
        for _ in range(4):
            absorb()
        return carry

    lax.fori_loop(0, OUTER, outer, 0)
    plsc.subcore_barrier()
    pltpu.sync_copy(shared.at[pl.ds(s * RPT, RPT)], out.at[wid])


@functools.lru_cache(maxsize=None)
def _make_sc_hist():
    return functools.partial(
        pl.kernel,
        out_type=jax.ShapeDtypeStruct((NW, RPT, 128), jnp.float32),
        mesh=plsc.VectorSubcoreMesh(core_axis_name="c", subcore_axis_name="s",
                                    num_cores=NC, num_subcores=NS),
        scratch_types=[
            pltpu.VMEM_SHARED((NPAD, 128), jnp.float32),
            pltpu.VMEM((IC, CB), jnp.int32),
            pltpu.VMEM((CB, 128), jnp.float32),
            pltpu.SemaphoreType.DMA,
        ],
    )(_sc_hist_body)



def _h3(c):
    return pl.BlockSpec((1, BT, 128), lambda i, c=c: (c, i, 0))


def _dinv_of(h0_ref, h1_ref):
    deg = h0_ref[0, :, 0:1] + h1_ref[0, :, 0:1] + 1.0
    return lax.rsqrt(deg)


def _tc1_body(x_ref, h0_ref, h1_ref, o_ref):
    o_ref[...] = x_ref[...] * _dinv_of(h0_ref, h1_ref)


def _tc1(x, hist3):
    bs = lambda shp: pl.BlockSpec(shp, lambda i: (i, 0))
    return pl.pallas_call(
        _tc1_body,
        grid=(GRID,),
        in_specs=[bs((BT, IN_CH)), _h3(0), _h3(1)],
        out_specs=bs((BT, IN_CH)),
        out_shape=jax.ShapeDtypeStruct((N, IN_CH), jnp.float32),
    )(x, hist3, hist3)


def _tc2_body(p0_ref, p1_ref, xs_ref, h0_ref, h1_ref,
              w1_ref, b1_ref, olo_ref, ohi_ref):
    dinv = _dinv_of(h0_ref, h1_ref)
    y1 = (p0_ref[0] + p1_ref[0] + xs_ref[...]) * dinv
    h = jax.nn.relu(
        jnp.dot(y1, w1_ref[...], preferred_element_type=jnp.float32)
        + b1_ref[...])
    xs2 = h * dinv
    olo_ref[...] = xs2[:, :128]
    ohi_ref[...] = xs2[:, 128:]


def _tc2(agg13, xs1, hist3, W1, b1):
    bs = lambda shp: pl.BlockSpec(shp, lambda i: (i, 0))
    full = lambda shp: pl.BlockSpec(shp, lambda i: (0, 0))
    return pl.pallas_call(
        _tc2_body,
        grid=(GRID,),
        in_specs=[_h3(0), _h3(1), bs((BT, 128)), _h3(0), _h3(1),
                  full((IN_CH, HID)), full((1, HID))],
        out_specs=[bs((BT, 128)), bs((BT, 128))],
        out_shape=[jax.ShapeDtypeStruct((N, 128), jnp.float32)] * 2,
    )(agg13, agg13, xs1, hist3, hist3, W1, b1)


def _tc3_body(alo_ref, ahi_ref, xlo_ref, xhi_ref, h0_ref, h1_ref, b_ref,
              w2_ref, b2_ref, wl_ref, bl_ref, out_ref, acc_ref, cnt_ref):
    i = pl.program_id(0)
    dinv = _dinv_of(h0_ref, h1_ref)
    y2 = jnp.concatenate(
        [alo_ref[0] + xlo_ref[...], ahi_ref[0] + xhi_ref[...]], axis=1)
    y2 = y2 * dinv
    h = jax.nn.relu(
        jnp.dot(y2, w2_ref[...], preferred_element_type=jnp.float32)
        + b2_ref[...])
    seg = b_ref[0, 0, :]
    onehot = (seg[None, :] ==
              lax.broadcasted_iota(jnp.int32, (NG, BT), 0)).astype(jnp.float32)
    psum = jnp.dot(onehot, h, preferred_element_type=jnp.float32)
    pcnt = jnp.sum(onehot, axis=1, keepdims=True)

    @pl.when(i == 0)
    def _():
        acc_ref[...] = psum
        cnt_ref[...] = pcnt

    @pl.when(i > 0)
    def _():
        acc_ref[...] += psum
        cnt_ref[...] += pcnt

    @pl.when(i == GRID - 1)
    def _():
        pooled = acc_ref[...] / jnp.maximum(cnt_ref[...], 1.0)
        out_ref[...] = (
            jnp.dot(pooled, wl_ref[...], preferred_element_type=jnp.float32)
            + bl_ref[...])


def _tc3(agg23, xs2lo, xs2hi, hist3, batch3, W2, b2, Wl, bl):
    bs = lambda shp: pl.BlockSpec(shp, lambda i: (i, 0))
    full = lambda shp: pl.BlockSpec(shp, lambda i: (0, 0))
    return pl.pallas_call(
        _tc3_body,
        grid=(GRID,),
        in_specs=[_h3(0), _h3(1), bs((BT, 128)), bs((BT, 128)),
                  _h3(0), _h3(1),
                  pl.BlockSpec((1, 1, BT), lambda i: (i, 0, 0)),
                  full((HID, HID)), full((1, HID)),
                  full((HID, OUT_CH)), full((1, OUT_CH))],
        out_specs=pl.BlockSpec((NG, OUT_CH), lambda i: (0, 0)),
        out_shape=jax.ShapeDtypeStruct((NG, OUT_CH), jnp.float32),
        scratch_shapes=[pltpu.VMEM((NG, HID), jnp.float32),
                        pltpu.VMEM((NG, 1), jnp.float32)],
    )(agg23, agg23, xs2lo, xs2hi, hist3, hist3, batch3, W2, b2, Wl, bl)



def kernel(x, edge_index, batch, W1, b1, W2, b2, Wl, bl):
    ei = edge_index.astype(jnp.int32)
    rowh = ei[0].reshape(NW * (CPTH // IC), IC, CB)
    colh = ei[1].reshape(NW * (CPTH // IC), IC, CB)
    row3 = ei[0].reshape(NS, CPTA, CB)
    col3 = ei[1].reshape(NS, CPTA, CB)
    gidx2 = jnp.concatenate([row3, row3 + N], axis=0).reshape(
        NW * (CPTA // IC), IC, CB)
    cidx2 = jnp.concatenate([col3, col3], axis=0).reshape(
        NW * (CPTA // IC), IC, CB)
    batch3 = batch.astype(jnp.int32).reshape(GRID, 1, BT)
    zeros128 = jnp.zeros((RPT, 128), jnp.float32)
    ones128 = jnp.ones((CB, 128), jnp.float32)

    hist3 = _make_sc_hist()(colh, ones128, zeros128).reshape(NC, NPAD, 128)
    xs1 = _tc1(x, hist3)
    agg13 = _make_sc_agg(CPTH // IC)(xs1, rowh, colh, zeros128).reshape(
        NC, NPAD, 128)
    xs2lo, xs2hi = _tc2(agg13, xs1, hist3, W1, b1.reshape(1, HID))
    xs2cat = jnp.concatenate([xs2lo, xs2hi], axis=0)
    agg23 = _make_sc_agg(CPTA // IC)(xs2cat, gidx2, cidx2, zeros128).reshape(
        NC, NPAD, 128)
    return _tc3(agg23, xs2lo, xs2hi, hist3, batch3, W2,
                b2.reshape(1, HID), Wl, bl.reshape(1, OUT_CH))

# --- scband reference (transcript-rebuilt; emitter-appended) ---
"""Pipeline reference for scband-gcn-71640054497444 (READ-ONLY COPY).

The authoritative reference and input builder live on the scoring server;
editing this copy changes nothing except your own understanding.
"""

import jax, jax.numpy as jnp
import numpy as np

N_NODES = 10000
N_EDGES = 320000
IN_CH = 128
HID = 256
OUT_CH = 16
NUM_GRAPHS = 64


def setup_inputs(seed: int = 0) -> dict:
    key = jax.random.key(seed)
    k = [jax.random.fold_in(key, i) for i in range(10)]
    x = jax.random.normal(k[0], (N_NODES, IN_CH), dtype=jnp.float32)
    edge_index = jax.random.randint(k[1], (2, N_EDGES), 0, N_NODES, dtype=jnp.int64)
    batch = jnp.sort(jax.random.randint(k[2], (N_NODES,), 0, NUM_GRAPHS, dtype=jnp.int64))
    W1 = jax.random.normal(k[3], (IN_CH, HID), dtype=jnp.float32) * 0.05
    b1 = jnp.zeros((HID,), dtype=jnp.float32)
    W2 = jax.random.normal(k[4], (HID, HID), dtype=jnp.float32) * 0.05
    b2 = jnp.zeros((HID,), dtype=jnp.float32)
    Wl = jax.random.normal(k[5], (HID, OUT_CH), dtype=jnp.float32) * 0.05
    bl = jnp.zeros((OUT_CH,), dtype=jnp.float32)
    return {"x": x, "edge_index": edge_index, "batch": batch, "W1": W1, "b1": b1, "W2": W2, "b2": b2, "Wl": Wl, "bl": bl}


def _gcn_conv(x, edge_index, W, b):
    # PyG GCNConv: add self-loops, symmetric normalization D^-1/2 (A+I) D^-1/2 X W + b
    n = x.shape[0]
    loop = jnp.arange(n, dtype=edge_index.dtype)
    row = jnp.concatenate([edge_index[0], loop])
    col = jnp.concatenate([edge_index[1], loop])
    deg = jnp.zeros((n,), dtype=x.dtype).at[col].add(1.0)
    dinv = jnp.where(deg > 0, 1.0 / jnp.sqrt(deg), 0.0)
    norm = dinv[row] * dinv[col]
    h = x @ W
    msg = h[row] * norm[:, None]
    out = jnp.zeros((n, W.shape[1]), dtype=x.dtype).at[col].add(msg)
    return out + b


def reference(x, edge_index, batch, W1, b1, W2, b2, Wl, bl):
    # conv layers (dropout is identity in eval mode)
    h = jax.nn.relu(_gcn_conv(x, edge_index, W1, b1))
    h = jax.nn.relu(_gcn_conv(h, edge_index, W2, b2))
    # global mean pool over graph assignment `batch`
    sums = jax.ops.segment_sum(h, batch, num_segments=NUM_GRAPHS)
    counts = jax.ops.segment_sum(jnp.ones((h.shape[0],), dtype=h.dtype), batch, num_segments=NUM_GRAPHS)
    pooled = sums / jnp.clip(counts, 1.0)[:, None]
    return pooled @ Wl + bl

if __name__ == "__main__":
    import jax
    _d = setup_inputs()
    print(jax.jit(kernel)(*tuple(_d.values())))

</pallas_src>

<mosaic_0001>
#map = affine_map<(d0, d1) -> (0, 0, 0)>
#map1 = affine_map<(d0, d1) -> (0, 0)>
module attributes {stable_mosaic.version = 14 : i64} {
  func.func @_sc_hist_body(%arg0: i32, %arg1: i32, %arg2: memref<160x25x80xi32, #tpu.memory_space<hbm>>, %arg3: memref<80x128xf32, #tpu.memory_space<hbm>>, %arg4: memref<640x128xf32, #tpu.memory_space<hbm>>, %arg5: memref<32x640x128xf32, #tpu.memory_space<hbm>>, %arg6: memref<10240x128xf32, #tpu.memory_space<vmem_shared>>, %arg7: memref<25x80xi32, #tpu.memory_space<vmem>>, %arg8: memref<80x128xf32, #tpu.memory_space<vmem>>, %arg9: memref<!tpu.dma_semaphore, #tpu.memory_space<semaphore_mem>>) attributes {dimension_semantics = [#tpu.dimension_semantics<core_parallel>, #tpu.dimension_semantics<subcore_parallel>], iteration_bounds = array<i64: 2, 16>, scalar_prefetch = 0 : i64, scratch_operands = 4 : i64, tpu.core_type = #tpu.core_type<sc_vector_subcore>, window_params = [{transform_indices = #map}, {transform_indices = #map1}, {transform_indices = #map1}, {transform_indices = #map}]} {
    %mul3A = arith.constant 16 : i32
    %mul3A_0 = arith.muli %arg0, %mul3A : i32
    %add3A = arith.addi %mul3A_0, %arg1 : i32
    %mul3A_1 = arith.constant 640 : i32
    %mul3A_2 = arith.muli %arg1, %mul3A_1 : i32
    "tpu.region"() ({
      %run_scoped3A = tpu.sem_alloc : memref<!tpu.dma_semaphore, #tpu.memory_space<semaphore_mem>>
      %dma_start3A = arith.constant 0 : i32
      %dma_start3A_11 = tpu.memref_slice %arg6[%mul3A_2, %dma_start3A] : memref<10240x128xf32, #tpu.memory_space<vmem_shared>> -> memref<640x128xf32, #tpu.memory_space<vmem_shared>>
      tpu.enqueue_dma source(%arg4 : memref<640x128xf32, #tpu.memory_space<hbm>>) target(%dma_start3A_11 : memref<640x128xf32, #tpu.memory_space<vmem_shared>>) target_semaphore(%run_scoped3A : memref<!tpu.dma_semaphore, #tpu.memory_space<semaphore_mem>>)
      %dma_wait3A = arith.constant 0 : i32
      %dma_wait3A_12 = tpu.memref_slice %arg6[%mul3A_2, %dma_wait3A] : memref<10240x128xf32, #tpu.memory_space<vmem_shared>> -> memref<640x128xf32, #tpu.memory_space<vmem_shared>>
      tpu.wait_dma2 semaphore(%run_scoped3A : memref<!tpu.dma_semaphore, #tpu.memory_space<semaphore_mem>>) src(%arg4 : memref<640x128xf32, #tpu.memory_space<hbm>>) dst(%dma_wait3A_12 : memref<640x128xf32, #tpu.memory_space<vmem_shared>>)
      tpu.yield
    }) : () -> ()
    "tpu.region"() ({
      %run_scoped3A = tpu.sem_alloc : memref<!tpu.dma_semaphore, #tpu.memory_space<semaphore_mem>>
      tpu.enqueue_dma source(%arg3 : memref<80x128xf32, #tpu.memory_space<hbm>>) target(%arg8 : memref<80x128xf32, #tpu.memory_space<vmem>>) target_semaphore(%run_scoped3A : memref<!tpu.dma_semaphore, #tpu.memory_space<semaphore_mem>>)
      tpu.wait_dma2 semaphore(%run_scoped3A : memref<!tpu.dma_semaphore, #tpu.memory_space<semaphore_mem>>) src(%arg3 : memref<80x128xf32, #tpu.memory_space<hbm>>) dst(%arg8 : memref<80x128xf32, #tpu.memory_space<vmem>>)
      tpu.yield
    }) : () -> ()
    %barrier3A = arith.constant 0 : index
    tpu.barrier barrier_id(%barrier3A)
    %scan3A = arith.constant 0 : i32
    %scan3A_3 = arith.constant 0 : i32
    %scan3A_4 = arith.constant 5 : i32
    %scan3A_5 = arith.addi %scan3A_3, %scan3A_4 : i32
    %scan3A_6 = arith.constant 1 : i32
    scf.for %scan3A_11 = %scan3A_3 to %scan3A_5 step %scan3A_6  : i32 {
      %mul3A_12 = arith.constant 5 : i32
      %mul3A_13 = arith.muli %add3A, %mul3A_12 : i32
      %add3A_14 = arith.addi %mul3A_13, %scan3A_11 : i32
      "tpu.region"() ({
        %run_scoped3A = tpu.sem_alloc : memref<!tpu.dma_semaphore, #tpu.memory_space<semaphore_mem>>
        %dma_start3A = arith.constant 0 : i32
        %dma_start3A_44 = arith.constant 0 : i32
        %dma_start3A_45 = tpu.memref_slice %arg2[%add3A_14, %dma_start3A, %dma_start3A_44] : memref<160x25x80xi32, #tpu.memory_space<hbm>> -> memref<1x25x80xi32, #tpu.memory_space<hbm>>
        %dma_start3A_46 = tpu.memref_squeeze %dma_start3A_45 : memref<1x25x80xi32, #tpu.memory_space<hbm>> -> memref<25x80xi32, #tpu.memory_space<hbm>>
        %dma_start3A_47 = arith.constant 0 : i32
        %dma_start3A_48 = arith.constant 0 : i32
        %dma_start3A_49 = tpu.memref_slice %arg2[%add3A_14, %dma_start3A_47, %dma_start3A_48] : memref<160x25x80xi32, #tpu.memory_space<hbm>> -> memref<1x25x80xi32, #tpu.memory_space<hbm>>
        %dma_start3A_50 = tpu.memref_squeeze %dma_start3A_49 : memref<1x25x80xi32, #tpu.memory_space<hbm>> -> memref<25x80xi32, #tpu.memory_space<hbm>>
        tpu.enqueue_dma source(%dma_start3A_50 : memref<25x80xi32, #tpu.memory_space<hbm>>) target(%arg7 : memref<25x80xi32, #tpu.memory_space<vmem>>) target_semaphore(%run_scoped3A : memref<!tpu.dma_semaphore, #tpu.memory_space<semaphore_mem>>)
        %dma_wait3A_51 = arith.constant 0 : i32
        %dma_wait3A_52 = arith.constant 0 : i32
        %dma_wait3A_53 = tpu.memref_slice %arg2[%add3A_14, %dma_wait3A_51, %dma_wait3A_52] : memref<160x25x80xi32, #tpu.memory_space<hbm>> -> memref<1x25x80xi32, #tpu.memory_space<hbm>>
        %dma_wait3A_54 = tpu.memref_squeeze %dma_wait3A_53 : memref<1x25x80xi32, #tpu.memory_space<hbm>> -> memref<25x80xi32, #tpu.memory_space<hbm>>
        %dma_wait3A_55 = arith.constant 0 : i32
        %dma_wait3A_56 = arith.constant 0 : i32
        %dma_wait3A_57 = tpu.memref_slice %arg2[%add3A_14, %dma_wait3A_55, %dma_wait3A_56] : memref<160x25x80xi32, #tpu.memory_space<hbm>> -> memref<1x25x80xi32, #tpu.memory_space<hbm>>
        %dma_wait3A_58 = tpu.memref_squeeze %dma_wait3A_57 : memref<1x25x80xi32, #tpu.memory_space<hbm>> -> memref<25x80xi32, #tpu.memory_space<hbm>>
        tpu.wait_dma2 semaphore(%run_scoped3A : memref<!tpu.dma_semaphore, #tpu.memory_space<semaphore_mem>>) src(%dma_wait3A_58 : memref<25x80xi32, #tpu.memory_space<hbm>>) dst(%arg7 : memref<25x80xi32, #tpu.memory_space<vmem>>)
        tpu.yield
      }) : () -> ()
      %scan3A_15 = arith.constant 0 : i32
      %scan3A_16 = arith.constant 0 : i32
      %scan3A_17 = arith.constant 25 : i32
      %scan3A_18 = arith.addi %scan3A_16, %scan3A_17 : i32
      %scan3A_19 = arith.constant 1 : i32
      scf.for %scan3A_44 = %scan3A_16 to %scan3A_18 step %scan3A_19  : i32 {
        %dma_start3A = arith.constant 0 : i32
        %dma_start3A_45 = tpu.memref_slice %arg7[%scan3A_44, %dma_start3A] : memref<25x80xi32, #tpu.memory_space<vmem>> -> memref<1x80xi32, #tpu.memory_space<vmem>>
        %dma_start3A_46 = tpu.memref_squeeze %dma_start3A_45 : memref<1x80xi32, #tpu.memory_space<vmem>> -> memref<80xi32, #tpu.memory_space<vmem>>
        %dma_start3A_47 = arith.constant 0 : i32
        %dma_start3A_48 = arith.constant 0 : i32
        %dma_start3A_49 = tpu.memref_slice %arg6[%dma_start3A_47, %dma_start3A_48] : memref<10240x128xf32, #tpu.memory_space<vmem_shared>> -> memref<10240x128xf32, #tpu.memory_space<vmem_shared>>
        tpu.enqueue_indirect_dma source(%arg8 : memref<80x128xf32, #tpu.memory_space<vmem>>) target(%dma_start3A_49 : memref<10240x128xf32, #tpu.memory_space<vmem_shared>>) offsets(%dma_start3A_46 : memref<80xi32, #tpu.memory_space<vmem>>) semaphore(%arg9 : memref<!tpu.dma_semaphore, #tpu.memory_space<semaphore_mem>>) {add = true}
        %ge3A = arith.constant 4 : i32
        %ge3A_50 = arith.cmpi sge, %scan3A_44, %ge3A : i32
        %convert_element_type3A = arith.extui %ge3A_50 : i1 to i32
        %cond3A = arith.constant 0 : i32
        %cond3A_51 = arith.cmpi ne, %convert_element_type3A, %cond3A : i32
        scf.if %cond3A_51 {
          %dma_wait3A_52 = arith.constant 0 : i32
          %dma_wait3A_53 = arith.constant 0 : i32
          %dma_wait3A_54 = tpu.memref_slice %arg4[%dma_wait3A_52, %dma_wait3A_53] : memref<640x128xf32, #tpu.memory_space<hbm>> -> memref<80x128xf32, #tpu.memory_space<hbm>>
          %dma_wait3A_55 = arith.constant 0 : i32
          %dma_wait3A_56 = arith.constant 0 : i32
          %dma_wait3A_57 = tpu.memref_slice %arg4[%dma_wait3A_55, %dma_wait3A_56] : memref<640x128xf32, #tpu.memory_space<hbm>> -> memref<80x128xf32, #tpu.memory_space<hbm>>
          tpu.wait_dma2 semaphore(%arg9 : memref<!tpu.dma_semaphore, #tpu.memory_space<semaphore_mem>>) src(%dma_wait3A_57 : memref<80x128xf32, #tpu.memory_space<hbm>>) dst(%arg8 : memref<80x128xf32, #tpu.memory_space<vmem>>)
        } else {
        }
      }
      %scan3A_20 = arith.constant 25 : i32
      %dma_wait3A = arith.constant 0 : i32
      %dma_wait3A_21 = arith.constant 0 : i32
      %dma_wait3A_22 = tpu.memref_slice %arg4[%dma_wait3A, %dma_wait3A_21] : memref<640x128xf32, #tpu.memory_space<hbm>> -> memref<80x128xf32, #tpu.memory_space<hbm>>
      %dma_wait3A_23 = arith.constant 0 : i32
      %dma_wait3A_24 = arith.constant 0 : i32
      %dma_wait3A_25 = tpu.memref_slice %arg4[%dma_wait3A_23, %dma_wait3A_24] : memref<640x128xf32, #tpu.memory_space<hbm>> -> memref<80x128xf32, #tpu.memory_space<hbm>>
      tpu.wait_dma2 semaphore(%arg9 : memref<!tpu.dma_semaphore, #tpu.memory_space<semaphore_mem>>) src(%dma_wait3A_25 : memref<80x128xf32, #tpu.memory_space<hbm>>) dst(%arg8 : memref<80x128xf32, #tpu.memory_space<vmem>>)
      %dma_wait3A_26 = arith.constant 0 : i32
      %dma_wait3A_27 = arith.constant 0 : i32
      %dma_wait3A_28 = tpu.memref_slice %arg4[%dma_wait3A_26, %dma_wait3A_27] : memref<640x128xf32, #tpu.memory_space<hbm>> -> memref<80x128xf32, #tpu.memory_space<hbm>>
      %dma_wait3A_29 = arith.constant 0 : i32
      %dma_wait3A_30 = arith.constant 0 : i32
      %dma_wait3A_31 = tpu.memref_slice %arg4[%dma_wait3A_29, %dma_wait3A_30] : memref<640x128xf32, #tpu.memory_space<hbm>> -> memref<80x128xf32, #tpu.memory_space<hbm>>
      tpu.wait_dma2 semaphore(%arg9 : memref<!tpu.dma_semaphore, #tpu.memory_space<semaphore_mem>>) src(%dma_wait3A_31 : memref<80x128xf32, #tpu.memory_space<hbm>>) dst(%arg8 : memref<80x128xf32, #tpu.memory_space<vmem>>)
      %dma_wait3A_32 = arith.constant 0 : i32
      %dma_wait3A_33 = arith.constant 0 : i32
      %dma_wait3A_34 = tpu.memref_slice %arg4[%dma_wait3A_32, %dma_wait3A_33] : memref<640x128xf32, #tpu.memory_space<hbm>> -> memref<80x128xf32, #tpu.memory_space<hbm>>
      %dma_wait3A_35 = arith.constant 0 : i32
      %dma_wait3A_36 = arith.constant 0 : i32
      %dma_wait3A_37 = tpu.memref_slice %arg4[%dma_wait3A_35, %dma_wait3A_36] : memref<640x128xf32, #tpu.memory_space<hbm>> -> memref<80x128xf32, #tpu.memory_space<hbm>>
      tpu.wait_dma2 semaphore(%arg9 : memref<!tpu.dma_semaphore, #tpu.memory_space<semaphore_mem>>) src(%dma_wait3A_37 : memref<80x128xf32, #tpu.memory_space<hbm>>) dst(%arg8 : memref<80x128xf32, #tpu.memory_space<vmem>>)
      %dma_wait3A_38 = arith.constant 0 : i32
      %dma_wait3A_39 = arith.constant 0 : i32
      %dma_wait3A_40 = tpu.memref_slice %arg4[%dma_wait3A_38, %dma_wait3A_39] : memref<640x128xf32, #tpu.memory_space<hbm>> -> memref<80x128xf32, #tpu.memory_space<hbm>>
      %dma_wait3A_41 = arith.constant 0 : i32
      %dma_wait3A_42 = arith.constant 0 : i32
      %dma_wait3A_43 = tpu.memref_slice %arg4[%dma_wait3A_41, %dma_wait3A_42] : memref<640x128xf32, #tpu.memory_space<hbm>> -> memref<80x128xf32, #tpu.memory_space<hbm>>
      tpu.wait_dma2 semaphore(%arg9 : memref<!tpu.dma_semaphore, #tpu.memory_space<semaphore_mem>>) src(%dma_wait3A_43 : memref<80x128xf32, #tpu.memory_space<hbm>>) dst(%arg8 : memref<80x128xf32, #tpu.memory_space<vmem>>)
    }
    %scan3A_7 = arith.constant 5 : i32
    %barrier3A_8 = arith.constant 0 : index
    tpu.barrier barrier_id(%barrier3A_8)
    %mul3A_9 = arith.constant 640 : i32
    %mul3A_10 = arith.muli %arg1, %mul3A_9 : i32
    "tpu.region"() ({
      %run_scoped3A = tpu.sem_alloc : memref<!tpu.dma_semaphore, #tpu.memory_space<semaphore_mem>>
      %dma_start3A = arith.constant 0 : i32
      %dma_start3A_11 = arith.constant 0 : i32
      %dma_start3A_12 = tpu.memref_slice %arg5[%add3A, %dma_start3A, %dma_start3A_11] : memref<32x640x128xf32, #tpu.memory_space<hbm>> -> memref<1x640x128xf32, #tpu.memory_space<hbm>>
      %dma_start3A_13 = tpu.memref_squeeze %dma_start3A_12 : memref<1x640x128xf32, #tpu.memory_space<hbm>> -> memref<640x128xf32, #tpu.memory_space<hbm>>
      %dma_start3A_14 = arith.constant 0 : i32
      %dma_start3A_15 = tpu.memref_slice %arg6[%mul3A_10, %dma_start3A_14] : memref<10240x128xf32, #tpu.memory_space<vmem_shared>> -> memref<640x128xf32, #tpu.memory_space<vmem_shared>>
      tpu.enqueue_dma source(%dma_start3A_15 : memref<640x128xf32, #tpu.memory_space<vmem_shared>>) target(%dma_start3A_13 : memref<640x128xf32, #tpu.memory_space<hbm>>) target_semaphore(%run_scoped3A : memref<!tpu.dma_semaphore, #tpu.memory_space<semaphore_mem>>)
      %dma_wait3A = arith.constant 0 : i32
      %dma_wait3A_16 = arith.constant 0 : i32
      %dma_wait3A_17 = tpu.memref_slice %arg5[%add3A, %dma_wait3A, %dma_wait3A_16] : memref<32x640x128xf32, #tpu.memory_space<hbm>> -> memref<1x640x128xf32, #tpu.memory_space<hbm>>
      %dma_wait3A_18 = tpu.memref_squeeze %dma_wait3A_17 : memref<1x640x128xf32, #tpu.memory_space<hbm>> -> memref<640x128xf32, #tpu.memory_space<hbm>>
      %dma_wait3A_19 = arith.constant 0 : i32
      %dma_wait3A_20 = tpu.memref_slice %arg6[%mul3A_10, %dma_wait3A_19] : memref<10240x128xf32, #tpu.memory_space<vmem_shared>> -> memref<640x128xf32, #tpu.memory_space<vmem_shared>>
      tpu.wait_dma2 semaphore(%run_scoped3A : memref<!tpu.dma_semaphore, #tpu.memory_space<semaphore_mem>>) src(%dma_wait3A_20 : memref<640x128xf32, #tpu.memory_space<vmem_shared>>) dst(%dma_wait3A_18 : memref<640x128xf32, #tpu.memory_space<hbm>>)
      tpu.yield
    }) : () -> ()
    return
  }
}

#map = affine_map<(d0, d1) -> (0, 0)>
#map1 = affine_map<(d0, d1) -> (0, 0, 0)>
module attributes {stable_mosaic.version = 14 : i64} {
  func.func @body(%arg0: i32, %arg1: i32, %arg2: memref<20000x128xf32, #tpu.memory_space<hbm>>, %arg3: memref<320x25x80xi32, #tpu.memory_space<hbm>>, %arg4: memref<320x25x80xi32, #tpu.memory_space<hbm>>, %arg5: memref<640x128xf32, #tpu.memory_space<hbm>>, %arg6: memref<32x640x128xf32, #tpu.memory_space<hbm>>, %arg7: memref<10240x128xf32, #tpu.memory_space<vmem_shared>>, %arg8: memref<25x80xi32, #tpu.memory_space<vmem>>, %arg9: memref<25x80xi32, #tpu.memory_space<vmem>>, %arg10: memref<320x128xf32, #tpu.memory_space<vmem>>, %arg11: memref<!tpu.dma_semaphore, #tpu.memory_space<semaphore_mem>>, %arg12: memref<!tpu.dma_semaphore, #tpu.memory_space<semaphore_mem>>) attributes {dimension_semantics = [#tpu.dimension_semantics<core_parallel>, #tpu.dimension_semantics<subcore_parallel>], iteration_bounds = array<i64: 2, 16>, scalar_prefetch = 0 : i64, scratch_operands = 6 : i64, tpu.core_type = #tpu.core_type<sc_vector_subcore>, window_params = [{transform_indices = #map}, {transform_indices = #map1}, {transform_indices = #map1}, {transform_indices = #map}, {transform_indices = #map1}]} {
    %mul3A = arith.constant 16 : i32
    %mul3A_0 = arith.muli %arg0, %mul3A : i32
    %add3A = arith.addi %mul3A_0, %arg1 : i32
    %mul3A_1 = arith.constant 640 : i32
    %mul3A_2 = arith.muli %arg1, %mul3A_1 : i32
    "tpu.region"() ({
      %run_scoped3A = tpu.sem_alloc : memref<!tpu.dma_semaphore, #tpu.memory_space<semaphore_mem>>
      %dma_start3A = arith.constant 0 : i32
      %dma_start3A_11 = tpu.memref_slice %arg7[%mul3A_2, %dma_start3A] : memref<10240x128xf32, #tpu.memory_space<vmem_shared>> -> memref<640x128xf32, #tpu.memory_space<vmem_shared>>
      tpu.enqueue_dma source(%arg5 : memref<640x128xf32, #tpu.memory_space<hbm>>) target(%dma_start3A_11 : memref<640x128xf32, #tpu.memory_space<vmem_shared>>) target_semaphore(%run_scoped3A : memref<!tpu.dma_semaphore, #tpu.memory_space<semaphore_mem>>)
      %dma_wait3A = arith.constant 0 : i32
      %dma_wait3A_12 = tpu.memref_slice %arg7[%mul3A_2, %dma_wait3A] : memref<10240x128xf32, #tpu.memory_space<vmem_shared>> -> memref<640x128xf32, #tpu.memory_space<vmem_shared>>
      tpu.wait_dma2 semaphore(%run_scoped3A : memref<!tpu.dma_semaphore, #tpu.memory_space<semaphore_mem>>) src(%arg5 : memref<640x128xf32, #tpu.memory_space<hbm>>) dst(%dma_wait3A_12 : memref<640x128xf32, #tpu.memory_space<vmem_shared>>)
      tpu.yield
    }) : () -> ()
    %barrier3A = arith.constant 0 : index
    tpu.barrier barrier_id(%barrier3A)
    %scan3A = arith.constant 0 : i32
    %scan3A_3 = arith.constant 0 : i32
    %scan3A_4 = arith.constant 10 : i32
    %scan3A_5 = arith.addi %scan3A_3, %scan3A_4 : i32
    %scan3A_6 = arith.constant 1 : i32
    scf.for %scan3A_11 = %scan3A_3 to %scan3A_5 step %scan3A_6  : i32 {
      %mul3A_12 = arith.constant 10 : i32
      %mul3A_13 = arith.muli %add3A, %mul3A_12 : i32
      %add3A_14 = arith.addi %mul3A_13, %scan3A_11 : i32
      "tpu.region"() ({
        %run_scoped3A = tpu.sem_alloc : memref<!tpu.dma_semaphore, #tpu.memory_space<semaphore_mem>>
        %dma_start3A_47 = arith.constant 0 : i32
        %dma_start3A_48 = arith.constant 0 : i32
        %dma_start3A_49 = tpu.memref_slice %arg3[%add3A_14, %dma_start3A_47, %dma_start3A_48] : memref<320x25x80xi32, #tpu.memory_space<hbm>> -> memref<1x25x80xi32, #tpu.memory_space<hbm>>
        %dma_start3A_50 = tpu.memref_squeeze %dma_start3A_49 : memref<1x25x80xi32, #tpu.memory_space<hbm>> -> memref<25x80xi32, #tpu.memory_space<hbm>>
        %dma_start3A_51 = arith.constant 0 : i32
        %dma_start3A_52 = arith.constant 0 : i32
        %dma_start3A_53 = tpu.memref_slice %arg3[%add3A_14, %dma_start3A_51, %dma_start3A_52] : memref<320x25x80xi32, #tpu.memory_space<hbm>> -> memref<1x25x80xi32, #tpu.memory_space<hbm>>
        %dma_start3A_54 = tpu.memref_squeeze %dma_start3A_53 : memref<1x25x80xi32, #tpu.memory_space<hbm>> -> memref<25x80xi32, #tpu.memory_space<hbm>>
        tpu.enqueue_dma source(%dma_start3A_54 : memref<25x80xi32, #tpu.memory_space<hbm>>) target(%arg8 : memref<25x80xi32, #tpu.memory_space<vmem>>) target_semaphore(%run_scoped3A : memref<!tpu.dma_semaphore, #tpu.memory_space<semaphore_mem>>)
        %dma_wait3A = arith.constant 0 : i32
        %dma_wait3A_55 = arith.constant 0 : i32
        %dma_wait3A_56 = tpu.memref_slice %arg3[%add3A_14, %dma_wait3A, %dma_wait3A_55] : memref<320x25x80xi32, #tpu.memory_space<hbm>> -> memref<1x25x80xi32, #tpu.memory_space<hbm>>
        %dma_wait3A_57 = tpu.memref_squeeze %dma_wait3A_56 : memref<1x25x80xi32, #tpu.memory_space<hbm>> -> memref<25x80xi32, #tpu.memory_space<hbm>>
        %dma_wait3A_58 = arith.constant 0 : i32
        %dma_wait3A_59 = arith.constant 0 : i32
        %dma_wait3A_60 = tpu.memref_slice %arg3[%add3A_14, %dma_wait3A_58, %dma_wait3A_59] : memref<320x25x80xi32, #tpu.memory_space<hbm>> -> memref<1x25x80xi32, #tpu.memory_space<hbm>>
        %dma_wait3A_61 = tpu.memref_squeeze %dma_wait3A_60 : memref<1x25x80xi32, #tpu.memory_space<hbm>> -> memref<25x80xi32, #tpu.memory_space<hbm>>
        tpu.wait_dma2 semaphore(%run_scoped3A : memref<!tpu.dma_semaphore, #tpu.memory_space<semaphore_mem>>) src(%dma_wait3A_61 : memref<25x80xi32, #tpu.memory_space<hbm>>) dst(%arg8 : memref<25x80xi32, #tpu.memory_space<vmem>>)
        tpu.yield
      }) : () -> ()
      "tpu.region"() ({
        %run_scoped3A = tpu.sem_alloc : memref<!tpu.dma_semaphore, #tpu.memory_space<semaphore_mem>>
        %dma_start3A_47 = arith.constant 0 : i32
        %dma_start3A_48 = arith.constant 0 : i32
        %dma_start3A_49 = tpu.memref_slice %arg4[%add3A_14, %dma_start3A_47, %dma_start3A_48] : memref<320x25x80xi32, #tpu.memory_space<hbm>> -> memref<1x25x80xi32, #tpu.memory_space<hbm>>
        %dma_start3A_50 = tpu.memref_squeeze %dma_start3A_49 : memref<1x25x80xi32, #tpu.memory_space<hbm>> -> memref<25x80xi32, #tpu.memory_space<hbm>>
        %dma_start3A_51 = arith.constant 0 : i32
        %dma_start3A_52 = arith.constant 0 : i32
        %dma_start3A_53 = tpu.memref_slice %arg4[%add3A_14, %dma_start3A_51, %dma_start3A_52] : memref<320x25x80xi32, #tpu.memory_space<hbm>> -> memref<1x25x80xi32, #tpu.memory_space<hbm>>
        %dma_start3A_54 = tpu.memref_squeeze %dma_start3A_53 : memref<1x25x80xi32, #tpu.memory_space<hbm>> -> memref<25x80xi32, #tpu.memory_space<hbm>>
        tpu.enqueue_dma source(%dma_start3A_54 : memref<25x80xi32, #tpu.memory_space<hbm>>) target(%arg9 : memref<25x80xi32, #tpu.memory_space<vmem>>) target_semaphore(%run_scoped3A : memref<!tpu.dma_semaphore, #tpu.memory_space<semaphore_mem>>)
        %dma_wait3A = arith.constant 0 : i32
        %dma_wait3A_55 = arith.constant 0 : i32
        %dma_wait3A_56 = tpu.memref_slice %arg4[%add3A_14, %dma_wait3A, %dma_wait3A_55] : memref<320x25x80xi32, #tpu.memory_space<hbm>> -> memref<1x25x80xi32, #tpu.memory_space<hbm>>
        %dma_wait3A_57 = tpu.memref_squeeze %dma_wait3A_56 : memref<1x25x80xi32, #tpu.memory_space<hbm>> -> memref<25x80xi32, #tpu.memory_space<hbm>>
        %dma_wait3A_58 = arith.constant 0 : i32
        %dma_wait3A_59 = arith.constant 0 : i32
        %dma_wait3A_60 = tpu.memref_slice %arg4[%add3A_14, %dma_wait3A_58, %dma_wait3A_59] : memref<320x25x80xi32, #tpu.memory_space<hbm>> -> memref<1x25x80xi32, #tpu.memory_space<hbm>>
        %dma_wait3A_61 = tpu.memref_squeeze %dma_wait3A_60 : memref<1x25x80xi32, #tpu.memory_space<hbm>> -> memref<25x80xi32, #tpu.memory_space<hbm>>
        tpu.wait_dma2 semaphore(%run_scoped3A : memref<!tpu.dma_semaphore, #tpu.memory_space<semaphore_mem>>) src(%dma_wait3A_61 : memref<25x80xi32, #tpu.memory_space<hbm>>) dst(%arg9 : memref<25x80xi32, #tpu.memory_space<vmem>>)
        tpu.yield
      }) : () -> ()
      %rem3A = arith.constant 0 : i32
      %rem3A_15 = arith.constant 4 : i32
      %rem3A_16 = arith.remsi %rem3A, %rem3A_15 : i32
      %mul3A_17 = arith.constant 80 : i32
      %mul3A_18 = arith.muli %rem3A_16, %mul3A_17 : i32
      %dma_start3A = arith.constant 0 : i32
      %dma_start3A_19 = arith.constant 0 : i32
      %dma_start3A_20 = tpu.memref_slice %arg10[%mul3A_18, %dma_start3A_19] : memref<320x128xf32, #tpu.memory_space<vmem>> -> memref<80x128xf32, #tpu.memory_space<vmem>>
      %dma_start3A_21 = arith.constant 0 : i32
      %dma_start3A_22 = tpu.memref_slice %arg8[%dma_start3A, %dma_start3A_21] : memref<25x80xi32, #tpu.memory_space<vmem>> -> memref<1x80xi32, #tpu.memory_space<vmem>>
      %dma_start3A_23 = tpu.memref_squeeze %dma_start3A_22 : memref<1x80xi32, #tpu.memory_space<vmem>> -> memref<80xi32, #tpu.memory_space<vmem>>
      %dma_start3A_24 = arith.constant 0 : i32
      %dma_start3A_25 = arith.constant 0 : i32
      %dma_start3A_26 = tpu.memref_slice %arg2[%dma_start3A_24, %dma_start3A_25] : memref<20000x128xf32, #tpu.memory_space<hbm>> -> memref<20000x128xf32, #tpu.memory_space<hbm>>
      tpu.enqueue_indirect_dma source(%dma_start3A_26 : memref<20000x128xf32, #tpu.memory_space<hbm>>) target(%dma_start3A_20 : memref<80x128xf32, #tpu.memory_space<vmem>>) offsets(%dma_start3A_23 : memref<80xi32, #tpu.memory_space<vmem>>) semaphore(%arg11 : memref<!tpu.dma_semaphore, #tpu.memory_space<semaphore_mem>>)
      %rem3A_27 = arith.constant 1 : i32
      %rem3A_28 = arith.constant 4 : i32
      %rem3A_29 = arith.remsi %rem3A_27, %rem3A_28 : i32
      %mul3A_30 = arith.constant 80 : i32
      %mul3A_31 = arith.muli %rem3A_29, %mul3A_30 : i32
      %dma_start3A_32 = arith.constant 1 : i32
      %dma_start3A_33 = arith.constant 0 : i32
      %dma_start3A_34 = tpu.memref_slice %arg10[%mul3A_31, %dma_start3A_33] : memref<320x128xf32, #tpu.memory_space<vmem>> -> memref<80x128xf32, #tpu.memory_space<vmem>>
      %dma_start3A_35 = arith.constant 0 : i32
      %dma_start3A_36 = tpu.memref_slice %arg8[%dma_start3A_32, %dma_start3A_35] : memref<25x80xi32, #tpu.memory_space<vmem>> -> memref<1x80xi32, #tpu.memory_space<vmem>>
      %dma_start3A_37 = tpu.memref_squeeze %dma_start3A_36 : memref<1x80xi32, #tpu.memory_space<vmem>> -> memref<80xi32, #tpu.memory_space<vmem>>
      %dma_start3A_38 = arith.constant 0 : i32
      %dma_start3A_39 = arith.constant 0 : i32
      %dma_start3A_40 = tpu.memref_slice %arg2[%dma_start3A_38, %dma_start3A_39] : memref<20000x128xf32, #tpu.memory_space<hbm>> -> memref<20000x128xf32, #tpu.memory_space<hbm>>
      tpu.enqueue_indirect_dma source(%dma_start3A_40 : memref<20000x128xf32, #tpu.memory_space<hbm>>) target(%dma_start3A_34 : memref<80x128xf32, #tpu.memory_space<vmem>>) offsets(%dma_start3A_37 : memref<80xi32, #tpu.memory_space<vmem>>) semaphore(%arg11 : memref<!tpu.dma_semaphore, #tpu.memory_space<semaphore_mem>>)
      %scan3A_41 = arith.constant 0 : i32
      %scan3A_42 = arith.constant 0 : i32
      %scan3A_43 = arith.constant 27 : i32
      %scan3A_44 = arith.addi %scan3A_42, %scan3A_43 : i32
      %scan3A_45 = arith.constant 1 : i32
      scf.for %scan3A_47 = %scan3A_42 to %scan3A_44 step %scan3A_45  : i32 {
        %ge3A = arith.constant 2 : i32
        %ge3A_48 = arith.cmpi sge, %scan3A_47, %ge3A : i32
        %convert_element_type3A = arith.extui %ge3A_48 : i1 to i32
        %cond3A = arith.constant 0 : i32
        %cond3A_49 = arith.cmpi ne, %convert_element_type3A, %cond3A : i32
        scf.if %cond3A_49 {
          %dma_wait3A = arith.constant 0 : i32
          %dma_wait3A_59 = arith.constant 0 : i32
          %dma_wait3A_60 = tpu.memref_slice %arg10[%dma_wait3A, %dma_wait3A_59] : memref<320x128xf32, #tpu.memory_space<vmem>> -> memref<80x128xf32, #tpu.memory_space<vmem>>
          %dma_wait3A_61 = arith.constant 0 : i32
          %dma_wait3A_62 = arith.constant 0 : i32
          %dma_wait3A_63 = tpu.memref_slice %arg2[%dma_wait3A_61, %dma_wait3A_62] : memref<20000x128xf32, #tpu.memory_space<hbm>> -> memref<80x128xf32, #tpu.memory_space<hbm>>
          %dma_wait3A_64 = arith.constant 0 : i32
          %dma_wait3A_65 = arith.constant 0 : i32
          %dma_wait3A_66 = tpu.memref_slice %arg10[%dma_wait3A_64, %dma_wait3A_65] : memref<320x128xf32, #tpu.memory_space<vmem>> -> memref<80x128xf32, #tpu.memory_space<vmem>>
          %dma_wait3A_67 = arith.constant 0 : i32
          %dma_wait3A_68 = arith.constant 0 : i32
          %dma_wait3A_69 = tpu.memref_slice %arg2[%dma_wait3A_67, %dma_wait3A_68] : memref<20000x128xf32, #tpu.memory_space<hbm>> -> memref<80x128xf32, #tpu.memory_space<hbm>>
          tpu.wait_dma2 semaphore(%arg12 : memref<!tpu.dma_semaphore, #tpu.memory_space<semaphore_mem>>) src(%dma_wait3A_69 : memref<80x128xf32, #tpu.memory_space<hbm>>) dst(%dma_wait3A_66 : memref<80x128xf32, #tpu.memory_space<vmem>>)
        } else {
        }
        %le3A = arith.constant 22 : i32
        %le3A_50 = arith.cmpi sle, %scan3A_47, %le3A : i32
        %convert_element_type3A_51 = arith.extui %le3A_50 : i1 to i32
        %cond3A_52 = arith.constant 0 : i32
        %cond3A_53 = arith.cmpi ne, %convert_element_type3A_51, %cond3A_52 : i32
        scf.if %cond3A_53 {
          %add3A_59 = arith.constant 2 : i32
          %add3A_60 = arith.addi %scan3A_47, %add3A_59 : i32
          %rem3A_61 = arith.constant 4 : i32
          %rem3A_62 = arith.remsi %add3A_60, %rem3A_61 : i32
          %mul3A_63 = arith.constant 80 : i32
          %mul3A_64 = arith.muli %rem3A_62, %mul3A_63 : i32
          %dma_start3A_65 = arith.constant 0 : i32
          %dma_start3A_66 = tpu.memref_slice %arg10[%mul3A_64, %dma_start3A_65] : memref<320x128xf32, #tpu.memory_space<vmem>> -> memref<80x128xf32, #tpu.memory_space<vmem>>
          %dma_start3A_67 = arith.constant 0 : i32
          %dma_start3A_68 = tpu.memref_slice %arg8[%add3A_60, %dma_start3A_67] : memref<25x80xi32, #tpu.memory_space<vmem>> -> memref<1x80xi32, #tpu.memory_space<vmem>>
          %dma_start3A_69 = tpu.memref_squeeze %dma_start3A_68 : memref<1x80xi32, #tpu.memory_space<vmem>> -> memref<80xi32, #tpu.memory_space<vmem>>
          %dma_start3A_70 = arith.constant 0 : i32
          %dma_start3A_71 = arith.constant 0 : i32
          %dma_start3A_72 = tpu.memref_slice %arg2[%dma_start3A_70, %dma_start3A_71] : memref<20000x128xf32, #tpu.memory_space<hbm>> -> memref<20000x128xf32, #tpu.memory_space<hbm>>
          tpu.enqueue_indirect_dma source(%dma_start3A_72 : memref<20000x128xf32, #tpu.memory_space<hbm>>) target(%dma_start3A_66 : memref<80x128xf32, #tpu.memory_space<vmem>>) offsets(%dma_start3A_69 : memref<80xi32, #tpu.memory_space<vmem>>) semaphore(%arg11 : memref<!tpu.dma_semaphore, #tpu.memory_space<semaphore_mem>>)
        } else {
        }
        %le3A_54 = arith.constant 24 : i32
        %le3A_55 = arith.cmpi sle, %scan3A_47, %le3A_54 : i32
        %convert_element_type3A_56 = arith.extui %le3A_55 : i1 to i32
        %cond3A_57 = arith.constant 0 : i32
        %cond3A_58 = arith.cmpi ne, %convert_element_type3A_56, %cond3A_57 : i32
        scf.if %cond3A_58 {
          %dma_wait3A = arith.constant 0 : i32
          %dma_wait3A_59 = arith.constant 0 : i32
          %dma_wait3A_60 = tpu.memref_slice %arg10[%dma_wait3A, %dma_wait3A_59] : memref<320x128xf32, #tpu.memory_space<vmem>> -> memref<80x128xf32, #tpu.memory_space<vmem>>
          %dma_wait3A_61 = arith.constant 0 : i32
          %dma_wait3A_62 = arith.constant 0 : i32
          %dma_wait3A_63 = tpu.memref_slice %arg2[%dma_wait3A_61, %dma_wait3A_62] : memref<20000x128xf32, #tpu.memory_space<hbm>> -> memref<80x128xf32, #tpu.memory_space<hbm>>
          %dma_wait3A_64 = arith.constant 0 : i32
          %dma_wait3A_65 = arith.constant 0 : i32
          %dma_wait3A_66 = tpu.memref_slice %arg10[%dma_wait3A_64, %dma_wait3A_65] : memref<320x128xf32, #tpu.memory_space<vmem>> -> memref<80x128xf32, #tpu.memory_space<vmem>>
          %dma_wait3A_67 = arith.constant 0 : i32
          %dma_wait3A_68 = arith.constant 0 : i32
          %dma_wait3A_69 = tpu.memref_slice %arg2[%dma_wait3A_67, %dma_wait3A_68] : memref<20000x128xf32, #tpu.memory_space<hbm>> -> memref<80x128xf32, #tpu.memory_space<hbm>>
          tpu.wait_dma2 semaphore(%arg11 : memref<!tpu.dma_semaphore, #tpu.memory_space<semaphore_mem>>) src(%dma_wait3A_69 : memref<80x128xf32, #tpu.memory_space<hbm>>) dst(%dma_wait3A_66 : memref<80x128xf32, #tpu.memory_space<vmem>>)
          %rem3A_70 = arith.constant 4 : i32
          %rem3A_71 = arith.remsi %scan3A_47, %rem3A_70 : i32
          %mul3A_72 = arith.constant 80 : i32
          %mul3A_73 = arith.muli %rem3A_71, %mul3A_72 : i32
          %dma_start3A_74 = arith.constant 0 : i32
          %dma_start3A_75 = tpu.memref_slice %arg10[%mul3A_73, %dma_start3A_74] : memref<320x128xf32, #tpu.memory_space<vmem>> -> memref<80x128xf32, #tpu.memory_space<vmem>>
          %dma_start3A_76 = arith.constant 0 : i32
          %dma_start3A_77 = tpu.memref_slice %arg9[%scan3A_47, %dma_start3A_76] : memref<25x80xi32, #tpu.memory_space<vmem>> -> memref<1x80xi32, #tpu.memory_space<vmem>>
          %dma_start3A_78 = tpu.memref_squeeze %dma_start3A_77 : memref<1x80xi32, #tpu.memory_space<vmem>> -> memref<80xi32, #tpu.memory_space<vmem>>
          %dma_start3A_79 = arith.constant 0 : i32
          %dma_start3A_80 = arith.constant 0 : i32
          %dma_start3A_81 = tpu.memref_slice %arg7[%dma_start3A_79, %dma_start3A_80] : memref<10240x128xf32, #tpu.memory_space<vmem_shared>> -> memref<10240x128xf32, #tpu.memory_space<vmem_shared>>
          tpu.enqueue_indirect_dma source(%dma_start3A_75 : memref<80x128xf32, #tpu.memory_space<vmem>>) target(%dma_start3A_81 : memref<10240x128xf32, #tpu.memory_space<vmem_shared>>) offsets(%dma_start3A_78 : memref<80xi32, #tpu.memory_space<vmem>>) semaphore(%arg12 : memref<!tpu.dma_semaphore, #tpu.memory_space<semaphore_mem>>) {add = true}
        } else {
        }
      }
      %scan3A_46 = arith.constant 27 : i32
    }
    %scan3A_7 = arith.constant 10 : i32
    %barrier3A_8 = arith.constant 0 : index
    tpu.barrier barrier_id(%barrier3A_8)
    %mul3A_9 = arith.constant 640 : i32
    %mul3A_10 = arith.muli %arg1, %mul3A_9 : i32
    "tpu.region"() ({
      %run_scoped3A = tpu.sem_alloc : memref<!tpu.dma_semaphore, #tpu.memory_space<semaphore_mem>>
      %dma_start3A = arith.constant 0 : i32
      %dma_start3A_11 = arith.constant 0 : i32
      %dma_start3A_12 = tpu.memref_slice %arg6[%add3A, %dma_start3A, %dma_start3A_11] : memref<32x640x128xf32, #tpu.memory_space<hbm>> -> memref<1x640x128xf32, #tpu.memory_space<hbm>>
      %dma_start3A_13 = tpu.memref_squeeze %dma_start3A_12 : memref<1x640x128xf32, #tpu.memory_space<hbm>> -> memref<640x128xf32, #tpu.memory_space<hbm>>
      %dma_start3A_14 = arith.constant 0 : i32
      %dma_start3A_15 = tpu.memref_slice %arg7[%mul3A_10, %dma_start3A_14] : memref<10240x128xf32, #tpu.memory_space<vmem_shared>> -> memref<640x128xf32, #tpu.memory_space<vmem_shared>>
      tpu.enqueue_dma source(%dma_start3A_15 : memref<640x128xf32, #tpu.memory_space<vmem_shared>>) target(%dma_start3A_13 : memref<640x128xf32, #tpu.memory_space<hbm>>) target_semaphore(%run_scoped3A : memref<!tpu.dma_semaphore, #tpu.memory_space<semaphore_mem>>)
      %dma_wait3A = arith.constant 0 : i32
      %dma_wait3A_16 = arith.constant 0 : i32
      %dma_wait3A_17 = tpu.memref_slice %arg6[%add3A, %dma_wait3A, %dma_wait3A_16] : memref<32x640x128xf32, #tpu.memory_space<hbm>> -> memref<1x640x128xf32, #tpu.memory_space<hbm>>
      %dma_wait3A_18 = tpu.memref_squeeze %dma_wait3A_17 : memref<1x640x128xf32, #tpu.memory_space<hbm>> -> memref<640x128xf32, #tpu.memory_space<hbm>>
      %dma_wait3A_19 = arith.constant 0 : i32
      %dma_wait3A_20 = tpu.memref_slice %arg7[%mul3A_10, %dma_wait3A_19] : memref<10240x128xf32, #tpu.memory_space<vmem_shared>> -> memref<640x128xf32, #tpu.memory_space<vmem_shared>>
      tpu.wait_dma2 semaphore(%run_scoped3A : memref<!tpu.dma_semaphore, #tpu.memory_space<semaphore_mem>>) src(%dma_wait3A_20 : memref<640x128xf32, #tpu.memory_space<vmem_shared>>) dst(%dma_wait3A_18 : memref<640x128xf32, #tpu.memory_space<hbm>>)
      tpu.yield
    }) : () -> ()
    return
  }
}

#map = affine_map<(d0, d1) -> (0, 0)>
#map1 = affine_map<(d0, d1) -> (0, 0, 0)>
module attributes {stable_mosaic.version = 14 : i64} {
  func.func @body(%arg0: i32, %arg1: i32, %arg2: memref<10000x128xf32, #tpu.memory_space<hbm>>, %arg3: memref<160x25x80xi32, #tpu.memory_space<hbm>>, %arg4: memref<160x25x80xi32, #tpu.memory_space<hbm>>, %arg5: memref<640x128xf32, #tpu.memory_space<hbm>>, %arg6: memref<32x640x128xf32, #tpu.memory_space<hbm>>, %arg7: memref<10240x128xf32, #tpu.memory_space<vmem_shared>>, %arg8: memref<25x80xi32, #tpu.memory_space<vmem>>, %arg9: memref<25x80xi32, #tpu.memory_space<vmem>>, %arg10: memref<320x128xf32, #tpu.memory_space<vmem>>, %arg11: memref<!tpu.dma_semaphore, #tpu.memory_space<semaphore_mem>>, %arg12: memref<!tpu.dma_semaphore, #tpu.memory_space<semaphore_mem>>) attributes {dimension_semantics = [#tpu.dimension_semantics<core_parallel>, #tpu.dimension_semantics<subcore_parallel>], iteration_bounds = array<i64: 2, 16>, scalar_prefetch = 0 : i64, scratch_operands = 6 : i64, tpu.core_type = #tpu.core_type<sc_vector_subcore>, window_params = [{transform_indices = #map}, {transform_indices = #map1}, {transform_indices = #map1}, {transform_indices = #map}, {transform_indices = #map1}]} {
    %mul3A = arith.constant 16 : i32
    %mul3A_0 = arith.muli %arg0, %mul3A : i32
    %add3A = arith.addi %mul3A_0, %arg1 : i32
    %mul3A_1 = arith.constant 640 : i32
    %mul3A_2 = arith.muli %arg1, %mul3A_1 : i32
    "tpu.region"() ({
      %run_scoped3A = tpu.sem_alloc : memref<!tpu.dma_semaphore, #tpu.memory_space<semaphore_mem>>
      %dma_start3A = arith.constant 0 : i32
      %dma_start3A_11 = tpu.memref_slice %arg7[%mul3A_2, %dma_start3A] : memref<10240x128xf32, #tpu.memory_space<vmem_shared>> -> memref<640x128xf32, #tpu.memory_space<vmem_shared>>
      tpu.enqueue_dma source(%arg5 : memref<640x128xf32, #tpu.memory_space<hbm>>) target(%dma_start3A_11 : memref<640x128xf32, #tpu.memory_space<vmem_shared>>) target_semaphore(%run_scoped3A : memref<!tpu.dma_semaphore, #tpu.memory_space<semaphore_mem>>)
      %dma_wait3A = arith.constant 0 : i32
      %dma_wait3A_12 = tpu.memref_slice %arg7[%mul3A_2, %dma_wait3A] : memref<10240x128xf32, #tpu.memory_space<vmem_shared>> -> memref<640x128xf32, #tpu.memory_space<vmem_shared>>
      tpu.wait_dma2 semaphore(%run_scoped3A : memref<!tpu.dma_semaphore, #tpu.memory_space<semaphore_mem>>) src(%arg5 : memref<640x128xf32, #tpu.memory_space<hbm>>) dst(%dma_wait3A_12 : memref<640x128xf32, #tpu.memory_space<vmem_shared>>)
      tpu.yield
    }) : () -> ()
    %barrier3A = arith.constant 0 : index
    tpu.barrier barrier_id(%barrier3A)
    %scan3A = arith.constant 0 : i32
    %scan3A_3 = arith.constant 0 : i32
    %scan3A_4 = arith.constant 5 : i32
    %scan3A_5 = arith.addi %scan3A_3, %scan3A_4 : i32
    %scan3A_6 = arith.constant 1 : i32
    scf.for %scan3A_11 = %scan3A_3 to %scan3A_5 step %scan3A_6  : i32 {
      %mul3A_12 = arith.constant 5 : i32
      %mul3A_13 = arith.muli %add3A, %mul3A_12 : i32
      %add3A_14 = arith.addi %mul3A_13, %scan3A_11 : i32
      "tpu.region"() ({
        %run_scoped3A = tpu.sem_alloc : memref<!tpu.dma_semaphore, #tpu.memory_space<semaphore_mem>>
        %dma_start3A_47 = arith.constant 0 : i32
        %dma_start3A_48 = arith.constant 0 : i32
        %dma_start3A_49 = tpu.memref_slice %arg3[%add3A_14, %dma_start3A_47, %dma_start3A_48] : memref<160x25x80xi32, #tpu.memory_space<hbm>> -> memref<1x25x80xi32, #tpu.memory_space<hbm>>
        %dma_start3A_50 = tpu.memref_squeeze %dma_start3A_49 : memref<1x25x80xi32, #tpu.memory_space<hbm>> -> memref<25x80xi32, #tpu.memory_space<hbm>>
        %dma_start3A_51 = arith.constant 0 : i32
        %dma_start3A_52 = arith.constant 0 : i32
        %dma_start3A_53 = tpu.memref_slice %arg3[%add3A_14, %dma_start3A_51, %dma_start3A_52] : memref<160x25x80xi32, #tpu.memory_space<hbm>> -> memref<1x25x80xi32, #tpu.memory_space<hbm>>
        %dma_start3A_54 = tpu.memref_squeeze %dma_start3A_53 : memref<1x25x80xi32, #tpu.memory_space<hbm>> -> memref<25x80xi32, #tpu.memory_space<hbm>>
        tpu.enqueue_dma source(%dma_start3A_54 : memref<25x80xi32, #tpu.memory_space<hbm>>) target(%arg8 : memref<25x80xi32, #tpu.memory_space<vmem>>) target_semaphore(%run_scoped3A : memref<!tpu.dma_semaphore, #tpu.memory_space<semaphore_mem>>)
        %dma_wait3A = arith.constant 0 : i32
        %dma_wait3A_55 = arith.constant 0 : i32
        %dma_wait3A_56 = tpu.memref_slice %arg3[%add3A_14, %dma_wait3A, %dma_wait3A_55] : memref<160x25x80xi32, #tpu.memory_space<hbm>> -> memref<1x25x80xi32, #tpu.memory_space<hbm>>
        %dma_wait3A_57 = tpu.memref_squeeze %dma_wait3A_56 : memref<1x25x80xi32, #tpu.memory_space<hbm>> -> memref<25x80xi32, #tpu.memory_space<hbm>>
        %dma_wait3A_58 = arith.constant 0 : i32
        %dma_wait3A_59 = arith.constant 0 : i32
        %dma_wait3A_60 = tpu.memref_slice %arg3[%add3A_14, %dma_wait3A_58, %dma_wait3A_59] : memref<160x25x80xi32, #tpu.memory_space<hbm>> -> memref<1x25x80xi32, #tpu.memory_space<hbm>>
        %dma_wait3A_61 = tpu.memref_squeeze %dma_wait3A_60 : memref<1x25x80xi32, #tpu.memory_space<hbm>> -> memref<25x80xi32, #tpu.memory_space<hbm>>
        tpu.wait_dma2 semaphore(%run_scoped3A : memref<!tpu.dma_semaphore, #tpu.memory_space<semaphore_mem>>) src(%dma_wait3A_61 : memref<25x80xi32, #tpu.memory_space<hbm>>) dst(%arg8 : memref<25x80xi32, #tpu.memory_space<vmem>>)
        tpu.yield
      }) : () -> ()
      "tpu.region"() ({
        %run_scoped3A = tpu.sem_alloc : memref<!tpu.dma_semaphore, #tpu.memory_space<semaphore_mem>>
        %dma_start3A_47 = arith.constant 0 : i32
        %dma_start3A_48 = arith.constant 0 : i32
        %dma_start3A_49 = tpu.memref_slice %arg4[%add3A_14, %dma_start3A_47, %dma_start3A_48] : memref<160x25x80xi32, #tpu.memory_space<hbm>> -> memref<1x25x80xi32, #tpu.memory_space<hbm>>
        %dma_start3A_50 = tpu.memref_squeeze %dma_start3A_49 : memref<1x25x80xi32, #tpu.memory_space<hbm>> -> memref<25x80xi32, #tpu.memory_space<hbm>>
        %dma_start3A_51 = arith.constant 0 : i32
        %dma_start3A_52 = arith.constant 0 : i32
        %dma_start3A_53 = tpu.memref_slice %arg4[%add3A_14, %dma_start3A_51, %dma_start3A_52] : memref<160x25x80xi32, #tpu.memory_space<hbm>> -> memref<1x25x80xi32, #tpu.memory_space<hbm>>
        %dma_start3A_54 = tpu.memref_squeeze %dma_start3A_53 : memref<1x25x80xi32, #tpu.memory_space<hbm>> -> memref<25x80xi32, #tpu.memory_space<hbm>>
        tpu.enqueue_dma source(%dma_start3A_54 : memref<25x80xi32, #tpu.memory_space<hbm>>) target(%arg9 : memref<25x80xi32, #tpu.memory_space<vmem>>) target_semaphore(%run_scoped3A : memref<!tpu.dma_semaphore, #tpu.memory_space<semaphore_mem>>)
        %dma_wait3A = arith.constant 0 : i32
        %dma_wait3A_55 = arith.constant 0 : i32
        %dma_wait3A_56 = tpu.memref_slice %arg4[%add3A_14, %dma_wait3A, %dma_wait3A_55] : memref<160x25x80xi32, #tpu.memory_space<hbm>> -> memref<1x25x80xi32, #tpu.memory_space<hbm>>
        %dma_wait3A_57 = tpu.memref_squeeze %dma_wait3A_56 : memref<1x25x80xi32, #tpu.memory_space<hbm>> -> memref<25x80xi32, #tpu.memory_space<hbm>>
        %dma_wait3A_58 = arith.constant 0 : i32
        %dma_wait3A_59 = arith.constant 0 : i32
        %dma_wait3A_60 = tpu.memref_slice %arg4[%add3A_14, %dma_wait3A_58, %dma_wait3A_59] : memref<160x25x80xi32, #tpu.memory_space<hbm>> -> memref<1x25x80xi32, #tpu.memory_space<hbm>>
        %dma_wait3A_61 = tpu.memref_squeeze %dma_wait3A_60 : memref<1x25x80xi32, #tpu.memory_space<hbm>> -> memref<25x80xi32, #tpu.memory_space<hbm>>
        tpu.wait_dma2 semaphore(%run_scoped3A : memref<!tpu.dma_semaphore, #tpu.memory_space<semaphore_mem>>) src(%dma_wait3A_61 : memref<25x80xi32, #tpu.memory_space<hbm>>) dst(%arg9 : memref<25x80xi32, #tpu.memory_space<vmem>>)
        tpu.yield
      }) : () -> ()
      %rem3A = arith.constant 0 : i32
      %rem3A_15 = arith.constant 4 : i32
      %rem3A_16 = arith.remsi %rem3A, %rem3A_15 : i32
      %mul3A_17 = arith.constant 80 : i32
      %mul3A_18 = arith.muli %rem3A_16, %mul3A_17 : i32
      %dma_start3A = arith.constant 0 : i32
      %dma_start3A_19 = arith.constant 0 : i32
      %dma_start3A_20 = tpu.memref_slice %arg10[%mul3A_18, %dma_start3A_19] : memref<320x128xf32, #tpu.memory_space<vmem>> -> memref<80x128xf32, #tpu.memory_space<vmem>>
      %dma_start3A_21 = arith.constant 0 : i32
      %dma_start3A_22 = tpu.memref_slice %arg8[%dma_start3A, %dma_start3A_21] : memref<25x80xi32, #tpu.memory_space<vmem>> -> memref<1x80xi32, #tpu.memory_space<vmem>>
      %dma_start3A_23 = tpu.memref_squeeze %dma_start3A_22 : memref<1x80xi32, #tpu.memory_space<vmem>> -> memref<80xi32, #tpu.memory_space<vmem>>
      %dma_start3A_24 = arith.constant 0 : i32
      %dma_start3A_25 = arith.constant 0 : i32
      %dma_start3A_26 = tpu.memref_slice %arg2[%dma_start3A_24, %dma_start3A_25] : memref<10000x128xf32, #tpu.memory_space<hbm>> -> memref<10000x128xf32, #tpu.memory_space<hbm>>
      tpu.enqueue_indirect_dma source(%dma_start3A_26 : memref<10000x128xf32, #tpu.memory_space<hbm>>) target(%dma_start3A_20 : memref<80x128xf32, #tpu.memory_space<vmem>>) offsets(%dma_start3A_23 : memref<80xi32, #tpu.memory_space<vmem>>) semaphore(%arg11 : memref<!tpu.dma_semaphore, #tpu.memory_space<semaphore_mem>>)
      %rem3A_27 = arith.constant 1 : i32
      %rem3A_28 = arith.constant 4 : i32
      %rem3A_29 = arith.remsi %rem3A_27, %rem3A_28 : i32
      %mul3A_30 = arith.constant 80 : i32
      %mul3A_31 = arith.muli %rem3A_29, %mul3A_30 : i32
      %dma_start3A_32 = arith.constant 1 : i32
      %dma_start3A_33 = arith.constant 0 : i32
      %dma_start3A_34 = tpu.memref_slice %arg10[%mul3A_31, %dma_start3A_33] : memref<320x128xf32, #tpu.memory_space<vmem>> -> memref<80x128xf32, #tpu.memory_space<vmem>>
      %dma_start3A_35 = arith.constant 0 : i32
      %dma_start3A_36 = tpu.memref_slice %arg8[%dma_start3A_32, %dma_start3A_35] : memref<25x80xi32, #tpu.memory_space<vmem>> -> memref<1x80xi32, #tpu.memory_space<vmem>>
      %dma_start3A_37 = tpu.memref_squeeze %dma_start3A_36 : memref<1x80xi32, #tpu.memory_space<vmem>> -> memref<80xi32, #tpu.memory_space<vmem>>
      %dma_start3A_38 = arith.constant 0 : i32
      %dma_start3A_39 = arith.constant 0 : i32
      %dma_start3A_40 = tpu.memref_slice %arg2[%dma_start3A_38, %dma_start3A_39] : memref<10000x128xf32, #tpu.memory_space<hbm>> -> memref<10000x128xf32, #tpu.memory_space<hbm>>
      tpu.enqueue_indirect_dma source(%dma_start3A_40 : memref<10000x128xf32, #tpu.memory_space<hbm>>) target(%dma_start3A_34 : memref<80x128xf32, #tpu.memory_space<vmem>>) offsets(%dma_start3A_37 : memref<80xi32, #tpu.memory_space<vmem>>) semaphore(%arg11 : memref<!tpu.dma_semaphore, #tpu.memory_space<semaphore_mem>>)
      %scan3A_41 = arith.constant 0 : i32
      %scan3A_42 = arith.constant 0 : i32
      %scan3A_43 = arith.constant 27 : i32
      %scan3A_44 = arith.addi %scan3A_42, %scan3A_43 : i32
      %scan3A_45 = arith.constant 1 : i32
      scf.for %scan3A_47 = %scan3A_42 to %scan3A_44 step %scan3A_45  : i32 {
        %ge3A = arith.constant 2 : i32
        %ge3A_48 = arith.cmpi sge, %scan3A_47, %ge3A : i32
        %convert_element_type3A = arith.extui %ge3A_48 : i1 to i32
        %cond3A = arith.constant 0 : i32
        %cond3A_49 = arith.cmpi ne, %convert_element_type3A, %cond3A : i32
        scf.if %cond3A_49 {
          %dma_wait3A = arith.constant 0 : i32
          %dma_wait3A_59 = arith.constant 0 : i32
          %dma_wait3A_60 = tpu.memref_slice %arg10[%dma_wait3A, %dma_wait3A_59] : memref<320x128xf32, #tpu.memory_space<vmem>> -> memref<80x128xf32, #tpu.memory_space<vmem>>
          %dma_wait3A_61 = arith.constant 0 : i32
          %dma_wait3A_62 = arith.constant 0 : i32
          %dma_wait3A_63 = tpu.memref_slice %arg2[%dma_wait3A_61, %dma_wait3A_62] : memref<10000x128xf32, #tpu.memory_space<hbm>> -> memref<80x128xf32, #tpu.memory_space<hbm>>
          %dma_wait3A_64 = arith.constant 0 : i32
          %dma_wait3A_65 = arith.constant 0 : i32
          %dma_wait3A_66 = tpu.memref_slice %arg10[%dma_wait3A_64, %dma_wait3A_65] : memref<320x128xf32, #tpu.memory_space<vmem>> -> memref<80x128xf32, #tpu.memory_space<vmem>>
          %dma_wait3A_67 = arith.constant 0 : i32
          %dma_wait3A_68 = arith.constant 0 : i32
          %dma_wait3A_69 = tpu.memref_slice %arg2[%dma_wait3A_67, %dma_wait3A_68] : memref<10000x128xf32, #tpu.memory_space<hbm>> -> memref<80x128xf32, #tpu.memory_space<hbm>>
          tpu.wait_dma2 semaphore(%arg12 : memref<!tpu.dma_semaphore, #tpu.memory_space<semaphore_mem>>) src(%dma_wait3A_69 : memref<80x128xf32, #tpu.memory_space<hbm>>) dst(%dma_wait3A_66 : memref<80x128xf32, #tpu.memory_space<vmem>>)
        } else {
        }
        %le3A = arith.constant 22 : i32
        %le3A_50 = arith.cmpi sle, %scan3A_47, %le3A : i32
        %convert_element_type3A_51 = arith.extui %le3A_50 : i1 to i32
        %cond3A_52 = arith.constant 0 : i32
        %cond3A_53 = arith.cmpi ne, %convert_element_type3A_51, %cond3A_52 : i32
        scf.if %cond3A_53 {
          %add3A_59 = arith.constant 2 : i32
          %add3A_60 = arith.addi %scan3A_47, %add3A_59 : i32
          %rem3A_61 = arith.constant 4 : i32
          %rem3A_62 = arith.remsi %add3A_60, %rem3A_61 : i32
          %mul3A_63 = arith.constant 80 : i32
          %mul3A_64 = arith.muli %rem3A_62, %mul3A_63 : i32
          %dma_start3A_65 = arith.constant 0 : i32
          %dma_start3A_66 = tpu.memref_slice %arg10[%mul3A_64, %dma_start3A_65] : memref<320x128xf32, #tpu.memory_space<vmem>> -> memref<80x128xf32, #tpu.memory_space<vmem>>
          %dma_start3A_67 = arith.constant 0 : i32
          %dma_start3A_68 = tpu.memref_slice %arg8[%add3A_60, %dma_start3A_67] : memref<25x80xi32, #tpu.memory_space<vmem>> -> memref<1x80xi32, #tpu.memory_space<vmem>>
          %dma_start3A_69 = tpu.memref_squeeze %dma_start3A_68 : memref<1x80xi32, #tpu.memory_space<vmem>> -> memref<80xi32, #tpu.memory_space<vmem>>
          %dma_start3A_70 = arith.constant 0 : i32
          %dma_start3A_71 = arith.constant 0 : i32
          %dma_start3A_72 = tpu.memref_slice %arg2[%dma_start3A_70, %dma_start3A_71] : memref<10000x128xf32, #tpu.memory_space<hbm>> -> memref<10000x128xf32, #tpu.memory_space<hbm>>
          tpu.enqueue_indirect_dma source(%dma_start3A_72 : memref<10000x128xf32, #tpu.memory_space<hbm>>) target(%dma_start3A_66 : memref<80x128xf32, #tpu.memory_space<vmem>>) offsets(%dma_start3A_69 : memref<80xi32, #tpu.memory_space<vmem>>) semaphore(%arg11 : memref<!tpu.dma_semaphore, #tpu.memory_space<semaphore_mem>>)
        } else {
        }
        %le3A_54 = arith.constant 24 : i32
        %le3A_55 = arith.cmpi sle, %scan3A_47, %le3A_54 : i32
        %convert_element_type3A_56 = arith.extui %le3A_55 : i1 to i32
        %cond3A_57 = arith.constant 0 : i32
        %cond3A_58 = arith.cmpi ne, %convert_element_type3A_56, %cond3A_57 : i32
        scf.if %cond3A_58 {
          %dma_wait3A = arith.constant 0 : i32
          %dma_wait3A_59 = arith.constant 0 : i32
          %dma_wait3A_60 = tpu.memref_slice %arg10[%dma_wait3A, %dma_wait3A_59] : memref<320x128xf32, #tpu.memory_space<vmem>> -> memref<80x128xf32, #tpu.memory_space<vmem>>
          %dma_wait3A_61 = arith.constant 0 : i32
          %dma_wait3A_62 = arith.constant 0 : i32
          %dma_wait3A_63 = tpu.memref_slice %arg2[%dma_wait3A_61, %dma_wait3A_62] : memref<10000x128xf32, #tpu.memory_space<hbm>> -> memref<80x128xf32, #tpu.memory_space<hbm>>
          %dma_wait3A_64 = arith.constant 0 : i32
          %dma_wait3A_65 = arith.constant 0 : i32
          %dma_wait3A_66 = tpu.memref_slice %arg10[%dma_wait3A_64, %dma_wait3A_65] : memref<320x128xf32, #tpu.memory_space<vmem>> -> memref<80x128xf32, #tpu.memory_space<vmem>>
          %dma_wait3A_67 = arith.constant 0 : i32
          %dma_wait3A_68 = arith.constant 0 : i32
          %dma_wait3A_69 = tpu.memref_slice %arg2[%dma_wait3A_67, %dma_wait3A_68] : memref<10000x128xf32, #tpu.memory_space<hbm>> -> memref<80x128xf32, #tpu.memory_space<hbm>>
          tpu.wait_dma2 semaphore(%arg11 : memref<!tpu.dma_semaphore, #tpu.memory_space<semaphore_mem>>) src(%dma_wait3A_69 : memref<80x128xf32, #tpu.memory_space<hbm>>) dst(%dma_wait3A_66 : memref<80x128xf32, #tpu.memory_space<vmem>>)
          %rem3A_70 = arith.constant 4 : i32
          %rem3A_71 = arith.remsi %scan3A_47, %rem3A_70 : i32
          %mul3A_72 = arith.constant 80 : i32
          %mul3A_73 = arith.muli %rem3A_71, %mul3A_72 : i32
          %dma_start3A_74 = arith.constant 0 : i32
          %dma_start3A_75 = tpu.memref_slice %arg10[%mul3A_73, %dma_start3A_74] : memref<320x128xf32, #tpu.memory_space<vmem>> -> memref<80x128xf32, #tpu.memory_space<vmem>>
          %dma_start3A_76 = arith.constant 0 : i32
          %dma_start3A_77 = tpu.memref_slice %arg9[%scan3A_47, %dma_start3A_76] : memref<25x80xi32, #tpu.memory_space<vmem>> -> memref<1x80xi32, #tpu.memory_space<vmem>>
          %dma_start3A_78 = tpu.memref_squeeze %dma_start3A_77 : memref<1x80xi32, #tpu.memory_space<vmem>> -> memref<80xi32, #tpu.memory_space<vmem>>
          %dma_start3A_79 = arith.constant 0 : i32
          %dma_start3A_80 = arith.constant 0 : i32
          %dma_start3A_81 = tpu.memref_slice %arg7[%dma_start3A_79, %dma_start3A_80] : memref<10240x128xf32, #tpu.memory_space<vmem_shared>> -> memref<10240x128xf32, #tpu.memory_space<vmem_shared>>
          tpu.enqueue_indirect_dma source(%dma_start3A_75 : memref<80x128xf32, #tpu.memory_space<vmem>>) target(%dma_start3A_81 : memref<10240x128xf32, #tpu.memory_space<vmem_shared>>) offsets(%dma_start3A_78 : memref<80xi32, #tpu.memory_space<vmem>>) semaphore(%arg12 : memref<!tpu.dma_semaphore, #tpu.memory_space<semaphore_mem>>) {add = true}
        } else {
        }
      }
      %scan3A_46 = arith.constant 27 : i32
    }
    %scan3A_7 = arith.constant 5 : i32
    %barrier3A_8 = arith.constant 0 : index
    tpu.barrier barrier_id(%barrier3A_8)
    %mul3A_9 = arith.constant 640 : i32
    %mul3A_10 = arith.muli %arg1, %mul3A_9 : i32
    "tpu.region"() ({
      %run_scoped3A = tpu.sem_alloc : memref<!tpu.dma_semaphore, #tpu.memory_space<semaphore_mem>>
      %dma_start3A = arith.constant 0 : i32
      %dma_start3A_11 = arith.constant 0 : i32
      %dma_start3A_12 = tpu.memref_slice %arg6[%add3A, %dma_start3A, %dma_start3A_11] : memref<32x640x128xf32, #tpu.memory_space<hbm>> -> memref<1x640x128xf32, #tpu.memory_space<hbm>>
      %dma_start3A_13 = tpu.memref_squeeze %dma_start3A_12 : memref<1x640x128xf32, #tpu.memory_space<hbm>> -> memref<640x128xf32, #tpu.memory_space<hbm>>
      %dma_start3A_14 = arith.constant 0 : i32
      %dma_start3A_15 = tpu.memref_slice %arg7[%mul3A_10, %dma_start3A_14] : memref<10240x128xf32, #tpu.memory_space<vmem_shared>> -> memref<640x128xf32, #tpu.memory_space<vmem_shared>>
      tpu.enqueue_dma source(%dma_start3A_15 : memref<640x128xf32, #tpu.memory_space<vmem_shared>>) target(%dma_start3A_13 : memref<640x128xf32, #tpu.memory_space<hbm>>) target_semaphore(%run_scoped3A : memref<!tpu.dma_semaphore, #tpu.memory_space<semaphore_mem>>)
      %dma_wait3A = arith.constant 0 : i32
      %dma_wait3A_16 = arith.constant 0 : i32
      %dma_wait3A_17 = tpu.memref_slice %arg6[%add3A, %dma_wait3A, %dma_wait3A_16] : memref<32x640x128xf32, #tpu.memory_space<hbm>> -> memref<1x640x128xf32, #tpu.memory_space<hbm>>
      %dma_wait3A_18 = tpu.memref_squeeze %dma_wait3A_17 : memref<1x640x128xf32, #tpu.memory_space<hbm>> -> memref<640x128xf32, #tpu.memory_space<hbm>>
      %dma_wait3A_19 = arith.constant 0 : i32
      %dma_wait3A_20 = tpu.memref_slice %arg7[%mul3A_10, %dma_wait3A_19] : memref<10240x128xf32, #tpu.memory_space<vmem_shared>> -> memref<640x128xf32, #tpu.memory_space<vmem_shared>>
      tpu.wait_dma2 semaphore(%run_scoped3A : memref<!tpu.dma_semaphore, #tpu.memory_space<semaphore_mem>>) src(%dma_wait3A_20 : memref<640x128xf32, #tpu.memory_space<vmem_shared>>) dst(%dma_wait3A_18 : memref<640x128xf32, #tpu.memory_space<hbm>>)
      tpu.yield
    }) : () -> ()
    return
  }
}

module attributes {stable_mosaic.version = 14 : i64} {
  func.func @_tc1_body(%arg0: i32, %arg1: memref<2000x128xf32, #tpu.memory_space<vmem>>, %arg2: memref<1x2000x128xf32, #tpu.memory_space<vmem>>, %arg3: memref<1x2000x128xf32, #tpu.memory_space<vmem>>, %arg4: memref<2000x128xf32, #tpu.memory_space<vmem>>) attributes {dimension_semantics = [#tpu.dimension_semantics<arbitrary>], iteration_bounds = array<i64: 5>, scalar_prefetch = 0 : i64, scratch_operands = 0 : i64, tpu.core_type = #tpu.core_type<tc>, window_params = [{transform_indices = @transform_0, window_bounds = array<i64: 2000, 128>}, {transform_indices = @transform_1, window_bounds = array<i64: 1, 2000, 128>}, {transform_indices = @transform_2, window_bounds = array<i64: 1, 2000, 128>}, {transform_indices = @transform_3, window_bounds = array<i64: 2000, 128>}]} {
    %get3A = arith.constant 0 : index
    %get3A_0 = arith.constant 0 : index
    %get3A_1 = vector.load %arg1[%get3A, %get3A_0] : memref<2000x128xf32, #tpu.memory_space<vmem>>, vector<2000x128xf32>
    %get3A_2 = arith.constant 0 : index
    %get3A_3 = arith.constant 0 : index
    %get3A_4 = arith.constant 0 : index
    %get3A_5 = vector.load %arg2[%get3A_2, %get3A_3, %get3A_4] : memref<1x2000x128xf32, #tpu.memory_space<vmem>>, vector<1x2000x1xf32>
    %get3A_6 = vector.shape_cast %get3A_5 : vector<1x2000x1xf32> to vector<2000x1xf32>
    %get3A_7 = arith.constant 0 : index
    %get3A_8 = arith.constant 0 : index
    %get3A_9 = arith.constant 0 : index
    %get3A_10 = vector.load %arg3[%get3A_7, %get3A_8, %get3A_9] : memref<1x2000x128xf32, #tpu.memory_space<vmem>>, vector<1x2000x1xf32>
    %get3A_11 = vector.shape_cast %get3A_10 : vector<1x2000x1xf32> to vector<2000x1xf32>
    %add3A = arith.addf %get3A_6, %get3A_11 : vector<2000x1xf32>
    %add3A_12 = arith.constant 1.000000e+00 : f32
    %add3A_13 = vector.broadcast %add3A_12 : f32 to vector<2000x1xf32>
    %add3A_14 = arith.addf %add3A, %add3A_13 : vector<2000x1xf32>
    %rsqrt3A = math.rsqrt %add3A_14 : vector<2000x1xf32>
    %mul3A = vector.broadcast %rsqrt3A : vector<2000x1xf32> to vector<2000x128xf32>
    %mul3A_15 = arith.mulf %get3A_1, %mul3A : vector<2000x128xf32>
    %swap3A = arith.constant 0 : index
    %swap3A_16 = arith.constant 0 : index
    %swap3A_17 = vector.load %arg4[%swap3A, %swap3A_16] : memref<2000x128xf32, #tpu.memory_space<vmem>>, vector<2000x128xf32>
    tpu.vector_store %arg4[%swap3A, %swap3A_16], %mul3A_15 {strides = array<i32>} : memref<2000x128xf32, #tpu.memory_space<vmem>>, vector<2000x128xf32>,
    return
  }
  func.func @transform_0(%arg0: i32) -> (i32, i32) {
    %c0_i32 = arith.constant 0 : i32
    %c0_i32_0 = arith.constant 0 : i32
    return %arg0, %c0_i32 : i32, i32
  }
  func.func @transform_1(%arg0: i32) -> (i32, i32, i32) {
    %c0_i32 = arith.constant 0 : i32
    %c0_i32_0 = arith.constant 0 : i32
    %c0_i32_1 = arith.constant 0 : i32
    return %c0_i32, %arg0, %c0_i32_0 : i32, i32, i32
  }
  func.func @transform_2(%arg0: i32) -> (i32, i32, i32) {
    %c1_i32 = arith.constant 1 : i32
    %c0_i32 = arith.constant 0 : i32
    %c0_i32_0 = arith.constant 0 : i32
    return %c1_i32, %arg0, %c0_i32 : i32, i32, i32
  }
  func.func @transform_3(%arg0: i32) -> (i32, i32) {
    %c0_i32 = arith.constant 0 : i32
    %c0_i32_0 = arith.constant 0 : i32
    return %arg0, %c0_i32 : i32, i32
  }
}

module attributes {stable_mosaic.version = 14 : i64} {
  func.func @_tc2_body(%arg0: i32, %arg1: memref<1x2000x128xf32, #tpu.memory_space<vmem>>, %arg2: memref<1x2000x128xf32, #tpu.memory_space<vmem>>, %arg3: memref<2000x128xf32, #tpu.memory_space<vmem>>, %arg4: memref<1x2000x128xf32, #tpu.memory_space<vmem>>, %arg5: memref<1x2000x128xf32, #tpu.memory_space<vmem>>, %arg6: memref<128x256xf32, #tpu.memory_space<vmem>>, %arg7: memref<1x256xf32, #tpu.memory_space<vmem>>, %arg8: memref<2000x128xf32, #tpu.memory_space<vmem>>, %arg9: memref<2000x128xf32, #tpu.memory_space<vmem>>) attributes {dimension_semantics = [#tpu.dimension_semantics<arbitrary>], iteration_bounds = array<i64: 5>, scalar_prefetch = 0 : i64, scratch_operands = 0 : i64, tpu.core_type = #tpu.core_type<tc>, window_params = [{transform_indices = @transform_0, window_bounds = array<i64: 1, 2000, 128>}, {transform_indices = @transform_1, window_bounds = array<i64: 1, 2000, 128>}, {transform_indices = @transform_2, window_bounds = array<i64: 2000, 128>}, {transform_indices = @transform_3, window_bounds = array<i64: 1, 2000, 128>}, {transform_indices = @transform_4, window_bounds = array<i64: 1, 2000, 128>}, {pipeline_mode = #tpu.pipeline_mode<synchronous>, transform_indices = @transform_5, window_bounds = array<i64: 128, 256>}, {pipeline_mode = #tpu.pipeline_mode<synchronous>, transform_indices = @transform_6, window_bounds = array<i64: 1, 256>}, {transform_indices = @transform_7, window_bounds = array<i64: 2000, 128>}, {transform_indices = @transform_8, window_bounds = array<i64: 2000, 128>}]} {
    %get3A = arith.constant 0 : index
    %get3A_0 = arith.constant 0 : index
    %get3A_1 = arith.constant 0 : index
    %get3A_2 = vector.load %arg4[%get3A, %get3A_0, %get3A_1] : memref<1x2000x128xf32, #tpu.memory_space<vmem>>, vector<1x2000x1xf32>
    %get3A_3 = vector.shape_cast %get3A_2 : vector<1x2000x1xf32> to vector<2000x1xf32>
    %get3A_4 = arith.constant 0 : index
    %get3A_5 = arith.constant 0 : index
    %get3A_6 = arith.constant 0 : index
    %get3A_7 = vector.load %arg5[%get3A_4, %get3A_5, %get3A_6] : memref<1x2000x128xf32, #tpu.memory_space<vmem>>, vector<1x2000x1xf32>
    %get3A_8 = vector.shape_cast %get3A_7 : vector<1x2000x1xf32> to vector<2000x1xf32>
    %add3A = arith.addf %get3A_3, %get3A_8 : vector<2000x1xf32>
    %add3A_9 = arith.constant 1.000000e+00 : f32
    %add3A_10 = vector.broadcast %add3A_9 : f32 to vector<2000x1xf32>
    %add3A_11 = arith.addf %add3A, %add3A_10 : vector<2000x1xf32>
    %rsqrt3A = math.rsqrt %add3A_11 : vector<2000x1xf32>
    %get3A_12 = arith.constant 0 : index
    %get3A_13 = arith.constant 0 : index
    %get3A_14 = arith.constant 0 : index
    %get3A_15 = vector.load %arg1[%get3A_12, %get3A_13, %get3A_14] : memref<1x2000x128xf32, #tpu.memory_space<vmem>>, vector<1x2000x128xf32>
    %get3A_16 = vector.shape_cast %get3A_15 : vector<1x2000x128xf32> to vector<2000x128xf32>
    %get3A_17 = arith.constant 0 : index
    %get3A_18 = arith.constant 0 : index
    %get3A_19 = arith.constant 0 : index
    %get3A_20 = vector.load %arg2[%get3A_17, %get3A_18, %get3A_19] : memref<1x2000x128xf32, #tpu.memory_space<vmem>>, vector<1x2000x128xf32>
    %get3A_21 = vector.shape_cast %get3A_20 : vector<1x2000x128xf32> to vector<2000x128xf32>
    %add3A_22 = arith.addf %get3A_16, %get3A_21 : vector<2000x128xf32>
    %get3A_23 = arith.constant 0 : index
    %get3A_24 = arith.constant 0 : index
    %get3A_25 = vector.load %arg3[%get3A_23, %get3A_24] : memref<2000x128xf32, #tpu.memory_space<vmem>>, vector<2000x128xf32>
    %add3A_26 = arith.addf %add3A_22, %get3A_25 : vector<2000x128xf32>
    %mul3A = vector.broadcast %rsqrt3A : vector<2000x1xf32> to vector<2000x128xf32>
    %mul3A_27 = arith.mulf %add3A_26, %mul3A : vector<2000x128xf32>
    %get3A_28 = arith.constant 0 : index
    %get3A_29 = arith.constant 0 : index
    %get3A_30 = vector.load %arg6[%get3A_28, %get3A_29] : memref<128x256xf32, #tpu.memory_space<vmem>>, vector<128x256xf32>
    %dot_general3A = arith.constant dense<0.000000e+00> : vector<2000x256xf32>
    %dot_general3A_31 = tpu.matmul %mul3A_27, %get3A_30, %dot_general3A {dimension_numbers = #tpu.dot_dimension_numbers<[1], [0], [0], [1], [0, 0, 1, 1], [], []>, transpose_lhs_hint = false} : vector<2000x128xf32>, vector<128x256xf32>, vector<2000x256xf32> -> vector<2000x256xf32>
    %get3A_32 = arith.constant 0 : index
    %get3A_33 = arith.constant 0 : index
    %get3A_34 = vector.load %arg7[%get3A_32, %get3A_33] : memref<1x256xf32, #tpu.memory_space<vmem>>, vector<1x256xf32>
    %add3A_35 = vector.broadcast %get3A_34 : vector<1x256xf32> to vector<2000x256xf32>
    %add3A_36 = arith.addf %dot_general3A_31, %add3A_35 : vector<2000x256xf32>
    %max3A = arith.constant 0.000000e+00 : f32
    %max3A_37 = vector.broadcast %max3A : f32 to vector<2000x256xf32>
    %max3A_38 = arith.maximumf %add3A_36, %max3A_37 : vector<2000x256xf32>
    %mul3A_39 = vector.broadcast %rsqrt3A : vector<2000x1xf32> to vector<2000x256xf32>
    %mul3A_40 = arith.mulf %max3A_38, %mul3A_39 : vector<2000x256xf32>
    %slice3A = vector.extract_strided_slice %mul3A_40 {offsets = [0, 0], sizes = [2000, 128], strides = [1, 1]} : vector<2000x256xf32> to vector<2000x128xf32>
    %swap3A = arith.constant 0 : index
    %swap3A_41 = arith.constant 0 : index
    %swap3A_42 = vector.load %arg8[%swap3A, %swap3A_41] : memref<2000x128xf32, #tpu.memory_space<vmem>>, vector<2000x128xf32>
    tpu.vector_store %arg8[%swap3A, %swap3A_41], %slice3A {strides = array<i32>} : memref<2000x128xf32, #tpu.memory_space<vmem>>, vector<2000x128xf32>,
    %slice3A_43 = vector.extract_strided_slice %mul3A_40 {offsets = [0, 128], sizes = [2000, 128], strides = [1, 1]} : vector<2000x256xf32> to vector<2000x128xf32>
    %swap3A_44 = arith.constant 0 : index
    %swap3A_45 = arith.constant 0 : index
    %swap3A_46 = vector.load %arg9[%swap3A_44, %swap3A_45] : memref<2000x128xf32, #tpu.memory_space<vmem>>, vector<2000x128xf32>
    tpu.vector_store %arg9[%swap3A_44, %swap3A_45], %slice3A_43 {strides = array<i32>} : memref<2000x128xf32, #tpu.memory_space<vmem>>, vector<2000x128xf32>,
    return
  }
  func.func @transform_0(%arg0: i32) -> (i32, i32, i32) {
    %c0_i32 = arith.constant 0 : i32
    %c0_i32_0 = arith.constant 0 : i32
    %c0_i32_1 = arith.constant 0 : i32
    return %c0_i32, %arg0, %c0_i32_0 : i32, i32, i32
  }
  func.func @transform_1(%arg0: i32) -> (i32, i32, i32) {
    %c1_i32 = arith.constant 1 : i32
    %c0_i32 = arith.constant 0 : i32
    %c0_i32_0 = arith.constant 0 : i32
    return %c1_i32, %arg0, %c0_i32 : i32, i32, i32
  }
  func.func @transform_2(%arg0: i32) -> (i32, i32) {
    %c0_i32 = arith.constant 0 : i32
    %c0_i32_0 = arith.constant 0 : i32
    return %arg0, %c0_i32 : i32, i32
  }
  func.func @transform_3(%arg0: i32) -> (i32, i32, i32) {
    %c0_i32 = arith.constant 0 : i32
    %c0_i32_0 = arith.constant 0 : i32
    %c0_i32_1 = arith.constant 0 : i32
    return %c0_i32, %arg0, %c0_i32_0 : i32, i32, i32
  }
  func.func @transform_4(%arg0: i32) -> (i32, i32, i32) {
    %c1_i32 = arith.constant 1 : i32
    %c0_i32 = arith.constant 0 : i32
    %c0_i32_0 = arith.constant 0 : i32
    return %c1_i32, %arg0, %c0_i32 : i32, i32, i32
  }
  func.func @transform_5(%arg0: i32) -> (i32, i32) {
    %c0_i32 = arith.constant 0 : i32
    %c0_i32_0 = arith.constant 0 : i32
    %c0_i32_1 = arith.constant 0 : i32
    return %c0_i32, %c0_i32_0 : i32, i32
  }
  func.func @transform_6(%arg0: i32) -> (i32, i32) {
    %c0_i32 = arith.constant 0 : i32
    %c0_i32_0 = arith.constant 0 : i32
    %c0_i32_1 = arith.constant 0 : i32
    return %c0_i32, %c0_i32_0 : i32, i32
  }
  func.func @transform_7(%arg0: i32) -> (i32, i32) {
    %c0_i32 = arith.constant 0 : i32
    %c0_i32_0 = arith.constant 0 : i32
    return %arg0, %c0_i32 : i32, i32
  }
  func.func @transform_8(%arg0: i32) -> (i32, i32) {
    %c0_i32 = arith.constant 0 : i32
    %c0_i32_0 = arith.constant 0 : i32
    return %arg0, %c0_i32 : i32, i32
  }
}

module attributes {stable_mosaic.version = 14 : i64} {
  func.func @_tc3_body(%arg0: i32, %arg1: memref<1x2000x128xf32, #tpu.memory_space<vmem>>, %arg2: memref<1x2000x128xf32, #tpu.memory_space<vmem>>, %arg3: memref<2000x128xf32, #tpu.memory_space<vmem>>, %arg4: memref<2000x128xf32, #tpu.memory_space<vmem>>, %arg5: memref<1x2000x128xf32, #tpu.memory_space<vmem>>, %arg6: memref<1x2000x128xf32, #tpu.memory_space<vmem>>, %arg7: memref<1x1x2000xi32, #tpu.memory_space<vmem>>, %arg8: memref<256x256xf32, #tpu.memory_space<vmem>>, %arg9: memref<1x256xf32, #tpu.memory_space<vmem>>, %arg10: memref<256x16xf32, #tpu.memory_space<vmem>>, %arg11: memref<1x16xf32, #tpu.memory_space<vmem>>, %arg12: memref<64x16xf32, #tpu.memory_space<vmem>>, %arg13: memref<64x256xf32, #tpu.memory_space<vmem>>, %arg14: memref<64x1xf32, #tpu.memory_space<vmem>>) attributes {dimension_semantics = [#tpu.dimension_semantics<arbitrary>], iteration_bounds = array<i64: 5>, scalar_prefetch = 0 : i64, scratch_operands = 2 : i64, tpu.core_type = #tpu.core_type<tc>, window_params = [{transform_indices = @transform_0, window_bounds = array<i64: 1, 2000, 128>}, {transform_indices = @transform_1, window_bounds = array<i64: 1, 2000, 128>}, {transform_indices = @transform_2, window_bounds = array<i64: 2000, 128>}, {transform_indices = @transform_3, window_bounds = array<i64: 2000, 128>}, {transform_indices = @transform_4, window_bounds = array<i64: 1, 2000, 128>}, {transform_indices = @transform_5, window_bounds = array<i64: 1, 2000, 128>}, {transform_indices = @transform_6, window_bounds = array<i64: 1, 1, 2000>}, {pipeline_mode = #tpu.pipeline_mode<synchronous>, transform_indices = @transform_7, window_bounds = array<i64: 256, 256>}, {pipeline_mode = #tpu.pipeline_mode<synchronous>, transform_indices = @transform_8, window_bounds = array<i64: 1, 256>}, {pipeline_mode = #tpu.pipeline_mode<synchronous>, transform_indices = @transform_9, window_bounds = array<i64: 256, 16>}, {pipeline_mode = #tpu.pipeline_mode<synchronous>, transform_indices = @transform_10, window_bounds = array<i64: 1, 16>}, {pipeline_mode = #tpu.pipeline_mode<synchronous>, transform_indices = @transform_11, window_bounds = array<i64: 64, 16>}]} {
    %get3A = arith.constant 0 : index
    %get3A_0 = arith.constant 0 : index
    %get3A_1 = arith.constant 0 : index
    %get3A_2 = vector.load %arg5[%get3A, %get3A_0, %get3A_1] : memref<1x2000x128xf32, #tpu.memory_space<vmem>>, vector<1x2000x1xf32>
    %get3A_3 = vector.shape_cast %get3A_2 : vector<1x2000x1xf32> to vector<2000x1xf32>
    %get3A_4 = arith.constant 0 : index
    %get3A_5 = arith.constant 0 : index
    %get3A_6 = arith.constant 0 : index
    %get3A_7 = vector.load %arg6[%get3A_4, %get3A_5, %get3A_6] : memref<1x2000x128xf32, #tpu.memory_space<vmem>>, vector<1x2000x1xf32>
    %get3A_8 = vector.shape_cast %get3A_7 : vector<1x2000x1xf32> to vector<2000x1xf32>
    %add3A = arith.addf %get3A_3, %get3A_8 : vector<2000x1xf32>
    %add3A_9 = arith.constant 1.000000e+00 : f32
    %add3A_10 = vector.broadcast %add3A_9 : f32 to vector<2000x1xf32>
    %add3A_11 = arith.addf %add3A, %add3A_10 : vector<2000x1xf32>
    %rsqrt3A = math.rsqrt %add3A_11 : vector<2000x1xf32>
    %get3A_12 = arith.constant 0 : index
    %get3A_13 = arith.constant 0 : index
    %get3A_14 = arith.constant 0 : index
    %get3A_15 = vector.load %arg1[%get3A_12, %get3A_13, %get3A_14] : memref<1x2000x128xf32, #tpu.memory_space<vmem>>, vector<1x2000x128xf32>
    %get3A_16 = vector.shape_cast %get3A_15 : vector<1x2000x128xf32> to vector<2000x128xf32>
    %get3A_17 = arith.constant 0 : index
    %get3A_18 = arith.constant 0 : index
    %get3A_19 = vector.load %arg3[%get3A_17, %get3A_18] : memref<2000x128xf32, #tpu.memory_space<vmem>>, vector<2000x128xf32>
    %add3A_20 = arith.addf %get3A_16, %get3A_19 : vector<2000x128xf32>
    %get3A_21 = arith.constant 0 : index
    %get3A_22 = arith.constant 0 : index
    %get3A_23 = arith.constant 0 : index
    %get3A_24 = vector.load %arg2[%get3A_21, %get3A_22, %get3A_23] : memref<1x2000x128xf32, #tpu.memory_space<vmem>>, vector<1x2000x128xf32>
    %get3A_25 = vector.shape_cast %get3A_24 : vector<1x2000x128xf32> to vector<2000x128xf32>
    %get3A_26 = arith.constant 0 : index
    %get3A_27 = arith.constant 0 : index
    %get3A_28 = vector.load %arg4[%get3A_26, %get3A_27] : memref<2000x128xf32, #tpu.memory_space<vmem>>, vector<2000x128xf32>
    %add3A_29 = arith.addf %get3A_25, %get3A_28 : vector<2000x128xf32>
    %concatenate3A = tpu.concatenate %add3A_20, %add3A_29 in 1 : vector<2000x128xf32>, vector<2000x128xf32> -> vector<2000x256xf32>
    %mul3A = vector.broadcast %rsqrt3A : vector<2000x1xf32> to vector<2000x256xf32>
    %mul3A_30 = arith.mulf %concatenate3A, %mul3A : vector<2000x256xf32>
    %get3A_31 = arith.constant 0 : index
    %get3A_32 = arith.constant 0 : index
    %get3A_33 = vector.load %arg8[%get3A_31, %get3A_32] : memref<256x256xf32, #tpu.memory_space<vmem>>, vector<256x256xf32>
    %dot_general3A = arith.constant dense<0.000000e+00> : vector<2000x256xf32>
    %dot_general3A_34 = tpu.matmul %mul3A_30, %get3A_33, %dot_general3A {dimension_numbers = #tpu.dot_dimension_numbers<[1], [0], [0], [1], [0, 0, 1, 1], [], []>, transpose_lhs_hint = false} : vector<2000x256xf32>, vector<256x256xf32>, vector<2000x256xf32> -> vector<2000x256xf32>
    %get3A_35 = arith.constant 0 : index
    %get3A_36 = arith.constant 0 : index
    %get3A_37 = vector.load %arg9[%get3A_35, %get3A_36] : memref<1x256xf32, #tpu.memory_space<vmem>>, vector<1x256xf32>
    %add3A_38 = vector.broadcast %get3A_37 : vector<1x256xf32> to vector<2000x256xf32>
    %add3A_39 = arith.addf %dot_general3A_34, %add3A_38 : vector<2000x256xf32>
    %max3A = arith.constant 0.000000e+00 : f32
    %max3A_40 = vector.broadcast %max3A : f32 to vector<2000x256xf32>
    %max3A_41 = arith.maximumf %add3A_39, %max3A_40 : vector<2000x256xf32>
    %get3A_42 = arith.constant 0 : index
    %get3A_43 = arith.constant 0 : index
    %get3A_44 = arith.constant 0 : index
    %get3A_45 = vector.load %arg7[%get3A_42, %get3A_43, %get3A_44] : memref<1x1x2000xi32, #tpu.memory_space<vmem>>, vector<1x1x2000xi32>
    %get3A_46 = vector.shape_cast %get3A_45 : vector<1x1x2000xi32> to vector<2000xi32>
    %broadcast_in_dim3A = vector.shape_cast %get3A_46 : vector<2000xi32> to vector<1x2000xi32>
    %iota3A = tpu.iota {dimensions = array<i32: 0>} : vector<64x2000xi32>
    %eq3A = vector.broadcast %broadcast_in_dim3A : vector<1x2000xi32> to vector<64x2000xi32>
    %eq3A_47 = arith.cmpi eq, %eq3A, %iota3A : vector<64x2000xi32>
    %convert_element_type3A = arith.extui %eq3A_47 : vector<64x2000xi1> to vector<64x2000xi32>
    %convert_element_type3A_48 = arith.sitofp %convert_element_type3A : vector<64x2000xi32> to vector<64x2000xf32>
    %dot_general3A_49 = arith.constant dense<0.000000e+00> : vector<64x256xf32>
    %dot_general3A_50 = tpu.matmul %convert_element_type3A_48, %max3A_41, %dot_general3A_49 {dimension_numbers = #tpu.dot_dimension_numbers<[1], [0], [0], [1], [0, 0, 1, 1], [], []>, transpose_lhs_hint = false} : vector<64x2000xf32>, vector<2000x256xf32>, vector<64x256xf32> -> vector<64x256xf32>
    %reduce_sum3A = arith.constant dense<0.000000e+00> : vector<64xf32>
    %reduce_sum3A_51 = vector.multi_reduction <add>, %convert_element_type3A_48, %reduce_sum3A [1] : vector<64x2000xf32> to vector<64xf32>
    %broadcast_in_dim3A_52 = vector.shape_cast %reduce_sum3A_51 : vector<64xf32> to vector<64x1xf32>
    %eq3A_53 = arith.constant 0 : i32
    %eq3A_54 = arith.cmpi eq, %arg0, %eq3A_53 : i32
    %convert_element_type3A_55 = arith.extui %eq3A_54 : i1 to i32
    %cond3A = arith.constant 0 : i32
    %cond3A_56 = arith.cmpi ne, %convert_element_type3A_55, %cond3A : i32
    scf.if %cond3A_56 {
      %swap3A = arith.constant 0 : index
      %swap3A_66 = arith.constant 0 : index
      %swap3A_67 = vector.load %arg13[%swap3A, %swap3A_66] : memref<64x256xf32, #tpu.memory_space<vmem>>, vector<64x256xf32>
      tpu.vector_store %arg13[%swap3A, %swap3A_66], %dot_general3A_50 {strides = array<i32>} : memref<64x256xf32, #tpu.memory_space<vmem>>, vector<64x256xf32>,
      %swap3A_68 = arith.constant 0 : index
      %swap3A_69 = arith.constant 0 : index
      %swap3A_70 = vector.load %arg14[%swap3A_68, %swap3A_69] : memref<64x1xf32, #tpu.memory_space<vmem>>, vector<64x1xf32>
      tpu.vector_store %arg14[%swap3A_68, %swap3A_69], %broadcast_in_dim3A_52 {strides = array<i32>} : memref<64x1xf32, #tpu.memory_space<vmem>>, vector<64x1xf32>,
    } else {
    }
    %gt3A = arith.constant 0 : i32
    %gt3A_57 = arith.cmpi sgt, %arg0, %gt3A : i32
    %convert_element_type3A_58 = arith.extui %gt3A_57 : i1 to i32
    %cond3A_59 = arith.constant 0 : i32
    %cond3A_60 = arith.cmpi ne, %convert_element_type3A_58, %cond3A_59 : i32
    scf.if %cond3A_60 {
      %get3A_66 = arith.constant 0 : index
      %get3A_67 = arith.constant 0 : index
      %get3A_68 = vector.load %arg13[%get3A_66, %get3A_67] : memref<64x256xf32, #tpu.memory_space<vmem>>, vector<64x256xf32>
      %add3A_69 = arith.addf %get3A_68, %dot_general3A_50 : vector<64x256xf32>
      %swap3A = arith.constant 0 : index
      %swap3A_70 = arith.constant 0 : index
      %swap3A_71 = vector.load %arg13[%swap3A, %swap3A_70] : memref<64x256xf32, #tpu.memory_space<vmem>>, vector<64x256xf32>
      tpu.vector_store %arg13[%swap3A, %swap3A_70], %add3A_69 {strides = array<i32>} : memref<64x256xf32, #tpu.memory_space<vmem>>, vector<64x256xf32>,
      %get3A_72 = arith.constant 0 : index
      %get3A_73 = arith.constant 0 : index
      %get3A_74 = vector.load %arg14[%get3A_72, %get3A_73] : memref<64x1xf32, #tpu.memory_space<vmem>>, vector<64x1xf32>
      %add3A_75 = arith.addf %get3A_74, %broadcast_in_dim3A_52 : vector<64x1xf32>
      %swap3A_76 = arith.constant 0 : index
      %swap3A_77 = arith.constant 0 : index
      %swap3A_78 = vector.load %arg14[%swap3A_76, %swap3A_77] : memref<64x1xf32, #tpu.memory_space<vmem>>, vector<64x1xf32>
      tpu.vector_store %arg14[%swap3A_76, %swap3A_77], %add3A_75 {strides = array<i32>} : memref<64x1xf32, #tpu.memory_space<vmem>>, vector<64x1xf32>,
    } else {
    }
    %eq3A_61 = arith.constant 4 : i32
    %eq3A_62 = arith.cmpi eq, %arg0, %eq3A_61 : i32
    %convert_element_type3A_63 = arith.extui %eq3A_62 : i1 to i32
    %cond3A_64 = arith.constant 0 : i32
    %cond3A_65 = arith.cmpi ne, %convert_element_type3A_63, %cond3A_64 : i32
    scf.if %cond3A_65 {
      %get3A_66 = arith.constant 0 : index
      %get3A_67 = arith.constant 0 : index
      %get3A_68 = vector.load %arg13[%get3A_66, %get3A_67] : memref<64x256xf32, #tpu.memory_space<vmem>>, vector<64x256xf32>
      %get3A_69 = arith.constant 0 : index
      %get3A_70 = arith.constant 0 : index
      %get3A_71 = vector.load %arg14[%get3A_69, %get3A_70] : memref<64x1xf32, #tpu.memory_space<vmem>>, vector<64x1xf32>
      %max3A_72 = arith.constant 1.000000e+00 : f32
      %max3A_73 = vector.broadcast %max3A_72 : f32 to vector<64x1xf32>
      %max3A_74 = arith.maximumf %get3A_71, %max3A_73 : vector<64x1xf32>
      %div3A = vector.broadcast %max3A_74 : vector<64x1xf32> to vector<64x256xf32>
      %div3A_75 = arith.divf %get3A_68, %div3A : vector<64x256xf32>
      %get3A_76 = arith.constant 0 : index
      %get3A_77 = arith.constant 0 : index
      %get3A_78 = vector.load %arg10[%get3A_76, %get3A_77] : memref<256x16xf32, #tpu.memory_space<vmem>>, vector<256x16xf32>
      %dot_general3A_79 = arith.constant dense<0.000000e+00> : vector<64x16xf32>
      %dot_general3A_80 = tpu.matmul %div3A_75, %get3A_78, %dot_general3A_79 {dimension_numbers = #tpu.dot_dimension_numbers<[1], [0], [0], [1], [0, 0, 1, 1], [], []>, transpose_lhs_hint = false} : vector<64x256xf32>, vector<256x16xf32>, vector<64x16xf32> -> vector<64x16xf32>
      %get3A_81 = arith.constant 0 : index
      %get3A_82 = arith.constant 0 : index
      %get3A_83 = vector.load %arg11[%get3A_81, %get3A_82] : memref<1x16xf32, #tpu.memory_space<vmem>>, vector<1x16xf32>
      %add3A_84 = vector.broadcast %get3A_83 : vector<1x16xf32> to vector<64x16xf32>
      %add3A_85 = arith.addf %dot_general3A_80, %add3A_84 : vector<64x16xf32>
      %swap3A = arith.constant 0 : index
      %swap3A_86 = arith.constant 0 : index
      %swap3A_87 = vector.load %arg12[%swap3A, %swap3A_86] : memref<64x16xf32, #tpu.memory_space<vmem>>, vector<64x16xf32>
      tpu.vector_store %arg12[%swap3A, %swap3A_86], %add3A_85 {strides = array<i32>} : memref<64x16xf32, #tpu.memory_space<vmem>>, vector<64x16xf32>,
    } else {
    }
    return
  }
  func.func @transform_0(%arg0: i32) -> (i32, i32, i32) {
    %c0_i32 = arith.constant 0 : i32
    %c0_i32_0 = arith.constant 0 : i32
    %c0_i32_1 = arith.constant 0 : i32
    return %c0_i32, %arg0, %c0_i32_0 : i32, i32, i32
  }
  func.func @transform_1(%arg0: i32) -> (i32, i32, i32) {
    %c1_i32 = arith.constant 1 : i32
    %c0_i32 = arith.constant 0 : i32
    %c0_i32_0 = arith.constant 0 : i32
    return %c1_i32, %arg0, %c0_i32 : i32, i32, i32
  }
  func.func @transform_2(%arg0: i32) -> (i32, i32) {
    %c0_i32 = arith.constant 0 : i32
    %c0_i32_0 = arith.constant 0 : i32
    return %arg0, %c0_i32 : i32, i32
  }
  func.func @transform_3(%arg0: i32) -> (i32, i32) {
    %c0_i32 = arith.constant 0 : i32
    %c0_i32_0 = arith.constant 0 : i32
    return %arg0, %c0_i32 : i32, i32
  }
  func.func @transform_4(%arg0: i32) -> (i32, i32, i32) {
    %c0_i32 = arith.constant 0 : i32
    %c0_i32_0 = arith.constant 0 : i32
    %c0_i32_1 = arith.constant 0 : i32
    return %c0_i32, %arg0, %c0_i32_0 : i32, i32, i32
  }
  func.func @transform_5(%arg0: i32) -> (i32, i32, i32) {
    %c1_i32 = arith.constant 1 : i32
    %c0_i32 = arith.constant 0 : i32
    %c0_i32_0 = arith.constant 0 : i32
    return %c1_i32, %arg0, %c0_i32 : i32, i32, i32
  }
  func.func @transform_6(%arg0: i32) -> (i32, i32, i32) {
    %c0_i32 = arith.constant 0 : i32
    %c0_i32_0 = arith.constant 0 : i32
    %c0_i32_1 = arith.constant 0 : i32
    return %arg0, %c0_i32, %c0_i32_0 : i32, i32, i32
  }
  func.func @transform_7(%arg0: i32) -> (i32, i32) {
    %c0_i32 = arith.constant 0 : i32
    %c0_i32_0 = arith.constant 0 : i32
    %c0_i32_1 = arith.constant 0 : i32
    return %c0_i32, %c0_i32_0 : i32, i32
  }
  func.func @transform_8(%arg0: i32) -> (i32, i32) {
    %c0_i32 = arith.constant 0 : i32
    %c0_i32_0 = arith.constant 0 : i32
    %c0_i32_1 = arith.constant 0 : i32
    return %c0_i32, %c0_i32_0 : i32, i32
  }
  func.func @transform_9(%arg0: i32) -> (i32, i32) {
    %c0_i32 = arith.constant 0 : i32
    %c0_i32_0 = arith.constant 0 : i32
    %c0_i32_1 = arith.constant 0 : i32
    return %c0_i32, %c0_i32_0 : i32, i32
  }
  func.func @transform_10(%arg0: i32) -> (i32, i32) {
    %c0_i32 = arith.constant 0 : i32
    %c0_i32_0 = arith.constant 0 : i32
    %c0_i32_1 = arith.constant 0 : i32
    return %c0_i32, %c0_i32_0 : i32, i32
  }
  func.func @transform_11(%arg0: i32) -> (i32, i32) {
    %c0_i32 = arith.constant 0 : i32
    %c0_i32_0 = arith.constant 0 : i32
    %c0_i32_1 = arith.constant 0 : i32
    return %c0_i32, %c0_i32_0 : i32, i32
  }
}

</mosaic_0001>

<sc_bundles>
// kernel: kernel.11.cloned.1.call-start
scs
__scs_entry_jumppad:
0x0: {  	(pc) =	sbr.rel $0x88, $3  }
0x1: {  	(tag) =	ssettag $0x0;
	lr =	simm.s32 $0x1  }
0x2: {  	[smem:$0x3F98] =	sst lr;
	_ =	strace $0xD0000000  }
0x3: {  	_ = 	snop  }
0x4: {  	_ = 	snop  }
0x5: {  	_ = 	snop  }
0x6: {  	_ = 	snop  }
0x7: {  	_ = 	snop  }
__scs_overlays_trampoline_lowered:
0x8: {  	[smem:$0x3FA7] =	sst s0  }
0x9: {  	[smem:$0x3FA8] =	sst s1  }
0xa: {  	[smem:$0x3FA9] =	sst s2  }
0xb: {  	[smem:$0x3FAA] =	sst s3  }
0xc: {  	[smem:$0x3FAB] =	sst s4  }
0xd: {  	[smem:$0x3FAC] =	sst s5  }
0xe: {  	[smem:$0x3FAD] =	sst s6  }
0xf: {  	[smem:$0x3FAE] =	sst s7  }
0x10: {  	[smem:$0x3FAF] =	sst s8  }
0x11: {  	[smem:$0x3FB0] =	sst s9;
	s0 =	simm.s32 @!p0 $0x0  }
0x12: {  	s1 =	sld [smem:$0x3F96];
	s0 =	simm.s32 @p0 $0x1  }
0x13: {  	[smem:$0x3FB1] =	sst s0;
	s0 =	simm.s32 @!p1 $0x0  }
0x14: {  	s2 =	sld [smem:$0x3F95];
	s0 =	simm.s32 @p1 $0x1  }
0x15: {  	[smem:$0x3FB2] =	sst s0;
	s0 =	simm.s32 @!p2 $0x0  }
0x16: {  	s3 =	sld [smem:$0x3FDB];
	s0 =	simm.s32 @p2 $0x1  }
0x17: {  	s4 =	simm.s32 $0x1BF5;
	[smem:$0x3FB4] =	sst s0  }
0x18: {  	s0 =	sld [smem:$0x3F97];
	_ =	swait.ge [sflag:s4], $0x0  }
0x19: {  	s7 =	sld [smem:$0x3F98]  }
0x1a: {  	s8 =	sadd.s32 $0xFFFFE003, lr  }
0x1b: {  	s9 =	sadd.s32 $0xFFFFFEF7, lr;
	s5 =	simm.s32 $0xFFFFFFFF;
	p2 =	slt.u32 s8, $0xFFFFF086  }
0x1c: {  	p1 =	slt.u32 s9, $0xF7A;
	s5 =	simm.s32 @!p2 $0x0  }
0x1d: {  	s5 =	simm.s32 @p1 $0x1;
	p0 =	seq.s32 s7, s2  }
0x1e: {  	s7 =	smul.u32 @!p0 $0xF7A, s2;
	p2 =	seq.s32 @!p0 s5, $0x0  }
0x1f: {  	s9 =	smul.u32 $0xF7A, s1;
	s8 =	simm.s32 @!p0 $0x1BF5;
	p2 =	por !p2, p0  }
0x20: {  	[sflag:s8] =	ssyncset.s32 @!p0 $0xFFFFF086;
	s6 =	sadd.s32 @!p0 s3, s7;
	s7 =	simm.s32 @!p0 $0x108  }
0x21: {  	s3 =	sadd.s32 s3, s9;
	s6 =	sadd.s32 @!p0 $0x88, s6;
	s7 =	simm.s32 @p2 $0x1082  }
0x22: {  	[simem:s7], [sflag:s8] =	dma.local @!p0 [hbm:s6], $0xF7A  }
0x23: {  	s9 =	sor.u32 $0xD0000000, s2;
	s6 =	simm.s32 $0x108;
	_ =	swait.ge @!p0 [sflag:s8], $0x0  }
0x24: {  	s3 =	sadd.s32 $0x88, s3;
	s6 =	simm.s32 @!p1 $0x1082;
	[sflag:s4] =	ssyncset.s32 $0xFFFFF086  }
0x25: {  	[simem:s6], [sflag:s4] =	dma.local [hbm:s3], $0xF7A  }
0x26: {  	[smem:$0x3F98] =	sst s1;
	(tag) =	ssettag s2;
	_ =	strace s9  }
0x27: {  	s1 =	sld [smem:$0x3FA8]  }
0x28: {  	s2 =	sld [smem:$0x3FA9]  }
0x29: {  	s4 =	sld [smem:$0x3FAB]  }
0x2a: {  	p0 =	seq.s32 s5, $0x0;
	s5 =	sld [smem:$0x3FAC]  }
0x2b: {  	s6 =	sld [smem:$0x3FAD]  }
0x2c: {  	s7 =	sld [smem:$0x3FAE]  }
0x2d: {  	s3 =	simm.s32 $0x108;
	s8 =	sld [smem:$0x3FAF]  }
0x2e: {  	s3 =	simm.s32 @!p0 $0x1082;
	s9 =	sld [smem:$0x3FB0]  }
0x2f: {  	lr =	sadd.s32 s0, s3;
	s0 =	sld [smem:$0x3FA7]  }
0x30: {  	s3 =	sld [smem:$0x3FAA]  }
0x31: {  	[smem:$0x3FB3] =	sst s10  }
0x32: {  	s10 =	sld [smem:$0x3FB1];
	_ =	sdelay $0x3  }
0x33: {  	p0 =	seq.s32 s10, $0x1;
	s10 =	sld [smem:$0x3FB3];
	_ =	sdelay $0x3  }
0x34: {  	[smem:$0x3FB3] =	sst s10  }
0x35: {  	s10 =	sld [smem:$0x3FB2];
	_ =	sdelay $0x3  }
0x36: {  	p1 =	seq.s32 s10, $0x1;
	s10 =	sld [smem:$0x3FB3];
	_ =	sdelay $0x3  }
0x37: {  	[smem:$0x3FB3] =	sst s10  }
0x38: {  	s10 =	sld [smem:$0x3FB4]  }
0x39: {  	_ = 	snop;
	(pc) =	sbr.ind lr, $3  }
0x3a: {  	_ = 	snop  }
0x3b: {  	_ = 	snop  }
0x3c: {  	p2 =	seq.s32 s10, $0x1;
	s10 =	sld [smem:$0x3FB3]  }
0x3d: {  	_ =	shalt  }
0x3e: {  	_ =	shalt  }
0x3f: {  	_ =	shalt  }
0x40: {  	_ =	shalt  }
0x41: {  	_ =	shalt  }
0x42: {  	_ =	shalt  }
0x43: {  	_ =	shalt  }
0x44: {  	_ =	shalt  }
0x45: {  	_ =	shalt  }
0x46: {  	_ =	shalt  }
0x47: {  	_ =	shalt  }
0x48: {  	_ =	shalt  }
0x49: {  	_ =	shalt  }
0x4a: {  	_ =	shalt  }
0x4b: {  	_ =	shalt  }
0x4c: {  	_ =	shalt  }
0x4d: {  	_ =	shalt  }
0x4e: {  	_ =	shalt  }
0x4f: {  	_ =	shalt  }
0x50: {  	_ =	shalt  }
0x51: {  	_ =	shalt  }
0x52: {  	_ =	shalt  }
0x53: {  	_ =	shalt  }
0x54: {  	_ =	shalt  }
0x55: {  	_ =	shalt  }
0x56: {  	_ =	shalt  }
0x57: {  	_ =	shalt  }
0x58: {  	_ =	shalt  }
0x59: {  	_ =	shalt  }
0x5a: {  	_ =	shalt  }
0x5b: {  	_ =	shalt  }
0x5c: {  	_ =	shalt  }
0x5d: {  	_ =	shalt  }
0x5e: {  	_ =	shalt  }
0x5f: {  	_ =	shalt  }
0x60: {  	_ =	shalt  }
0x61: {  	_ =	shalt  }
0x62: {  	_ =	shalt  }
0x63: {  	_ =	shalt  }
0x64: {  	_ =	shalt  }
0x65: {  	_ =	shalt  }
0x66: {  	_ =	shalt  }
0x67: {  	_ =	shalt  }
0x68: {  	_ =	shalt  }
0x69: {  	_ =	shalt  }
0x6a: {  	_ =	shalt  }
0x6b: {  	_ =	shalt  }
0x6c: {  	_ =	shalt  }
0x6d: {  	_ =	shalt  }
0x6e: {  	_ =	shalt  }
0x6f: {  	_ =	shalt  }
0x70: {  	_ =	shalt  }
0x71: {  	_ =	shalt  }
0x72: {  	_ =	shalt  }
0x73: {  	_ =	shalt  }
0x74: {  	_ =	shalt  }
0x75: {  	_ =	shalt  }
0x76: {  	_ =	shalt  }
0x77: {  	_ =	shalt  }
0x78: {  	_ =	shalt  }
0x79: {  	_ =	shalt  }
0x7a: {  	_ =	shalt  }
0x7b: {  	_ =	shalt  }
0x7c: {  	_ =	shalt  }
0x7d: {  	_ =	shalt  }
0x7e: {  	_ =	shalt  }
0x7f: {  	_ =	shalt  }
0x80: {  	_ =	shalt  }
0x81: {  	_ =	shalt  }
0x82: {  	_ =	shalt  }
0x83: {  	_ =	shalt  }
0x84: {  	_ =	shalt  }
0x85: {  	_ =	shalt  }
0x86: {  	_ =	shalt  }
0x87: {  	_ =	shalt  }
.Lfunc_end0:
.L_simem_size_0:
called_computation.1_lowered:
.L_overlay_start_0:
0x88: {  	s2 =	sld [smem:$0x3FD9]  }
0x89: {  	s3 =	sld [smem:$0x3FFE];
	_ =	sdelay $0x1  }
0x8a: {  	s1 =	srdreg.scid  }
0x8b: {  	s0 =	sand.u32 $0x1, s1  }
0x8c: {  	s16 =	sshll.u32 s0, $0xA;
	s2 =	sadd.s32 s3, s2  }
0x8d: {  	s2 =	sadd.s32 s2, s16  }
0x8e: {  	[smem:$0x3FBF] =	sst s2  }
0x8f: {  	_ = 	snop  }
0x90: {  	(tm) =	ssettm $0x1  }
0x91: {  	s17 =	sld [smem:$0x3FFB];
	_ =	sdelay $0x3  }
0x92: {  	_ =	strace s17  }
0x93: {  	s2 =	sld [smem:$0x3FFC];
	_ =	sdelay $0x3  }
0x94: {  	_ =	strace s2  }
0x95: {  	s2 =	sld [smem:$0x3FFD];
	_ =	sdelay $0x3  }
0x96: {  	_ =	strace s2  }
0x97: {  	_ =	strace $0x8FFFFFFF  }
0x98: {  	s18 =	sld [smem:$0x3FDB];
	_ =	sdelay $0x1  }
0x99: {  	s19 =	simm.s32 $_scs_section_size  }
0x9a: {  	s4 =	simm.s32 $_size__tile_overlayer_lowered;
	s5 =	simm.s32 $_tile_overlayer_lowered  }
0x9b: {  	s22 =	simm.s32 $0x1BFF;
	s21 =	sshll.u32 s5, $0x1;
	s2 =	sadd.s32 s19, s18  }
0x9c: {  	s6 =	simm.s32 $0x0;
	s20 =	sshll.u32 s4, $0x1;
	s4 =	sadd.s32 s21, s2  }
0x9d: {  	[timem:s6], [sflag:s22] =	dma.local [hbm:s4], s20  }
0x9e: {  	_ =	swait.ge [sflag:s22], s20  }
0x9f: {  	s3 =	ssub.s32 $0x0, s20;
	[sflag:s22] =	ssyncset.done $0x0  }
0xa0: {  	[sflag:s22] =	ssyncadd.s32 s3;
	_ =	sdelay $0x1  }
0xa1: {  	s23 =	simm.s32 $0x1B8B  }
0xa2: {  	_ =	swait.ge [sflag:s23], $0x1  }
0xa3: {  	[sflag:s23] =	ssyncset.done $0x0  }
0xa4: {  	s25 =	simm.s32 $0x1B8E;
	s24 =	sld [smem:$0x3FFE];
	[sflag:s23] =	ssyncadd.s32 $0xFFFFFFFF  }
0xa5: {  	s26 =	simm.s32 $execute0_lowered;
	[smem:$0x3FD2] =	sst s25  }
0xa6: {  	s4 =	sshll.u32 s26, $0x1;
	_ =	strace $0x80000049;
	[dreg:$0x1] =	wrdreg $0xFFFFFFFF  }
0xa7: {  	s28 =	simm.s32 $_size_execute0_lowered;
	s2 =	sadd.s32 s2, s4;
	[dreg:$0x0] =	wrdreg $0x0  }
0xa8: {  	s4 =	sshll.u32 s28, $0x1;
	[dreg:$0x2] =	wrdreg s2  }
0xa9: {  	[dreg:$0x3] =	wrdreg s4  }
0xaa: {  	[dreg:$0x4] =	wrdreg $0xC0  }
0xab: {  	_ =	task [dreg:s6], $0x5FFFF  }
0xac: {  	[dreg:$0x1] =	wrdreg $0xFFFFFFFF  }
0xad: {  	[dreg:$0x0] =	wrdreg $0x60  }
0xae: {  	[dreg:$0x2] =	wrdreg s24  }
0xaf: {  	[dreg:$0x3] =	wrdreg $0x0  }
0xb0: {  	[dreg:$0x4] =	wrdreg $0x9  }
0xb1: {  	_ =	task.clear_ibuf [dreg:s6], $0x5FFFF;
	_ =	strace $0x90000049  }
0xb2: {  	s29 =	simm.s32 $0x9;
	_ =	strace $0x8000004B  }
0xb3: {  	_ =	swait.ge [sflag:s29], $0x1  }
0xb4: {  	[sflag:s29] =	ssyncadd.s32 $0xFFFFFFFF  }
0xb5: {  	_ =	strace $0x9000004B  }
0xb6: {  	_ =	sfence  }
0xb7: {  	s30 =	sld [smem:$0x0];
	_ =	sdelay $0x2  }
0xb8: {  	s31 =	sshll.u32 s1, $0xD;
	s1 =	sshrl.u32 s1, $0x2  }
0xb9: {  	s3 =	sand.u32 $0x4000, s31;
	s1 =	sadd.s32 s1, s30  }
0xba: {  	s0 =	sor.u32 s3, s0;
	s1 =	sshll.u32 s1, $0x11  }
0xbb: {  	s0 =	sor.u32 s1, s0  }
0xbc: {  	s0 =	sadd.s32 $0x8F2B, s0  }
0xbd: {  	[sflag:s0] =	ssyncadd.remote.s32 $0x1  }
0xbe: {  	_ =	sfence.sel $0xFFFF  }
0xbf: {  	[dreg:$0x0] =	wrdreg $0xFFFFFFFF;
	(pc) =	sbr.abs _section_cstart, $3  }
0xc0: {  	[dreg:$0x1] =	wrdreg $0xFFFFFFFF  }
0xc1: {  	_ =	task.clear_ibuf [dreg:s6], $0x2FFFF;
	_ =	strace $0x9FFFFFFF  }
0xc2: {  	(tm) =	ssettm $0x7FFFFFFF  }
0xc3: {  	_ =	shalt  }
tec
execute0_lowered:
.L_overlay_start_1:
0x0: {  	(tag) =	ssettag $0x1  }
0x1: {  	s0 =	rddreg [dreg:$0x0]  }
0x2: {  	s1 =	rddreg [dreg:$0x1];
	s2 =	srdreg.scid  }
0x3: {  	s3 =	simm.s32 $0x0;
	s7 =	stileid.u32;
	s13 =	simm.s32 $0x3  }
0x4: {  	s14 =	simm.s32 $0x14000;
	s15 =	simm.s32 $0x15000;
	s16 =	simm.s32 $0x50  }
0x5: {  	s17 =	simm.s32 $0x16000;
	s18 =	simm.s32 $0x14080;
	s19 =	simm.s32 $0x18800  }
0x6: {  	s20 =	simm.s32 $0x14100;
	s21 =	simm.s32 $0x1B000;
	s22 =	simm.s32 $0x1  }
0x7: {  	s23 =	simm.s32 $0x14180;
	s24 =	simm.s32 $0x1D800;
	s25 =	simm.s32 $0x15080  }
0x8: {  	s26 =	simm.s32 $0x2;
	s28 =	simm.s32 $0x0;
	s2 =	sand.u32 $0x1, s2  }
0x9: {  	[smem:$0x7FF] =	sst s3;
	s5 =	sadd.s32 $0x69800, s0;
	s6 =	sadd.s32 $0x2A00, s0  }
0xa: {  	s10 =	smul.u32 $0x50000, s7;
	s11 =	sadd.s32 $0x16A00, s0;
	s31 =	sshll.u32 s7, $0x6  }
0xb: {  	s4 =	sshll.u32 s2, $0x4;
	_ =	strace $0x8000004A;
	s2 =	ssub.s32 $0x2, s2  }
.Ltmp0:
0xc: {  	[dreg:$0x3] =	wrdreg s11;
	s9 =	sor.u32 s7, s4;
	(pc) =	sbr.rel .LBB2_1-.Ltmp0, $4  }
0xd: {  	s29 =	sshrl.u32 s2, $0x1;
	s30 =	sshrl.u32 s10, $0x2;
	s8 =	smul.u32 $0x2800, s9  }
0xe: {  	s4 =	sadd.s32 $0x7D800, s0;
	s2 =	ssub.s32 s2, s29;
	s12 =	sadd.s32 s30, s1  }
0xf: {  	s9 =	smul.u32 $0x5, s9;
	s11 =	smax.u32 s2, $0x1;
	s0 =	sadd.s32 s8, s0  }
0x10: {  	s12 =	sshrl.u32 s12, $0x3;
	s8 =	sor.u32 $0x1C03, s31;
	s10 =	sadd.s32 $0xA4A00, s0  }
.LBB2_9:
0x11: {  	s28 =	sadd.s32 $0x1, s28  }
0x12: {  	p0 =	sne.s32 s28, s11  }
.Ltmp1:
0x13: {  	[bflag:$0x0] =	sbarrier.arrive $0xFFFF;
	(pc) =	sbr.rel @!p0 .LBB2_10-.Ltmp1, $4  }
0x14: {  	[hbm:s10], [sflag:s8] =	dma.local [spmem:s12], $0x2800  }
0x15: {  	_ =	swait.ge [sflag:s13], $0x2800  }
0x16: {  	[sflag:s13] =	ssyncset.done $0x0  }
0x17: {  	[sflag:s13] =	ssyncadd.s32 $0xFFFFD800  }
.LBB2_1:
0x18: {  	s0 =	rddreg [dreg:$0x3]  }
0x19: {  	[spmem:s12], [sflag:s8] =	dma.local [hbm:s0], $0x2800  }
.Ltmp2:
0x1a: {  	_ =	swait.ge [sflag:s13], $0x2800;
	(pc) =	sbr.rel .LBB2_2-.Ltmp2, $4  }
0x1b: {  	[sflag:s13] =	ssyncset.done $0x0  }
0x1c: {  	[sflag:s13] =	ssyncadd.s32 $0xFFFFD800  }
0x1d: {  	[bflag:$0x0] =	sbarrier.arrive $0xFFFF  }
0x1e: {  	s29 =	simm.s32 $0x0  }
.LBB2_8:
0x1f: {  	s29 =	sadd.s32 $0x1, s29  }
0x20: {  	p0 =	sne.s32 s29, $0x5  }
.Ltmp3:
0x21: {  	_ = 	snop;
	(pc) =	sbr.rel @!p0 .LBB2_9-.Ltmp3, $1  }
0x22: {  	_ =	sdelay $0x3  }
.LBB2_2:
0x23: {  	s0 =	sadd.s32 s9, s29  }
0x24: {  	s0 =	sshll.u32 s0, $0x9  }
0x25: {  	s2 =	sadd.s32 s5, s0  }
0x26: {  	[tilespmem:s14], [sflag:$0x3] =	stream.linear.gather [hbm4b:s2+s3], $0xC80, $0x38;
	v63 =	vld [tilespmem:$0x0]  }
0x27: {  	_ =	swait.ge [sflag:s13], $0xC80  }
0x28: {  	[sflag:s13] =	ssyncset.done $0x0  }
0x29: {  	s0 =	sadd.s32 s6, s0;
	[sflag:s13] =	ssyncadd.s32 $0xFFFFF380  }
0x2a: {  	[tilespmem:s15], [sflag:$0x3] =	stream.linear.gather [hbm4b:s0+s3], $0xC80, $0x38;
	v63 =	vld [tilespmem:$0x0]  }
0x2b: {  	_ =	swait.ge [sflag:s13], $0xC80  }
0x2c: {  	[sflag:s13] =	ssyncset.done $0x0  }
0x2d: {  	[sflag:s13] =	ssyncadd.s32 $0xFFFFF380  }
0x2e: {  	[tilespmem:s17], [sflag:$0x1] =	stream.indirect.gather [hbm4b:s4+s16], $0x80, s14, s16, $0xb8;
	v63 =	vld [tilespmem:$0x0]  }
0x2f: {  	_ = 	snop  }
0x30: {  	[tilespmem:s19], [sflag:$0x1] =	stream.indirect.gather [hbm4b:s4+s16], $0x80, s18, s16, $0xb8;
	v63 =	vld [tilespmem:$0x0]  }
0x31: {  	_ = 	snop  }
0x32: {  	[tilespmem:s21], [sflag:$0x1] =	stream.indirect.gather [hbm4b:s4+s16], $0x80, s20, s16, $0xb8;
	v63 =	vld [tilespmem:$0x0]  }
0x33: {  	_ =	swait.ge [sflag:s22], $0x2800  }
0x34: {  	[sflag:s22] =	ssyncset.done $0x0  }
0x35: {  	[sflag:s22] =	ssyncadd.s32 $0xFFFFD800  }
0x36: {  	[spmem:s1] =	stream.indirect.scatter.add.f32 [tilespmem:s17], [sflag:$0x2], $0x80, s15, s16, $0xb8;
	v63 =	vld [tilespmem:$0x0]  }
0x37: {  	_ = 	snop  }
0x38: {  	[tilespmem:s24], [sflag:$0x1] =	stream.indirect.gather [hbm4b:s4+s16], $0x80, s23, s16, $0xb8;
	v63 =	vld [tilespmem:$0x0]  }
.Ltmp4:
0x39: {  	_ = 	snop;
	(pc) =	sbr.rel .LBB2_3-.Ltmp4, $4  }
0x3a: {  	_ =	swait.ge [sflag:s22], $0x2800  }
0x3b: {  	s30 =	simm.s32 $0x4;
	[sflag:s22] =	ssyncset.done $0x0  }
0x3c: {  	s31 =	simm.s32 $0x14200;
	s0 =	simm.s32 $0x15100;
	[sflag:s22] =	ssyncadd.s32 $0xFFFFD800  }
0x3d: {  	[spmem:s1] =	stream.indirect.scatter.add.f32 [tilespmem:s19], [sflag:$0x2], $0x80, s25, s16, $0xb8;
	v63 =	vld [tilespmem:$0x0]  }
.LBB2_4:
0x3e: {  	s7 =	sand.u32 $0x3, s30  }
0x3f: {  	s7 =	smul.u32 $0xA000, s7;
	_ =	sdelay $0x1  }
0x40: {  	s7 =	sshrl.u32 s7, $0x2  }
0x41: {  	s7 =	sadd.s32 $0x16000, s7  }
0x42: {  	[tilespmem:s7], [sflag:$0x1] =	stream.indirect.gather [hbm4b:s4+s16], $0x80, s31, s16, $0xb8;
	v63 =	vld [tilespmem:$0x0]  }
.LBB2_6:
0x43: {  	s2 =	sand.u32 $0x3, s2  }
0x44: {  	s2 =	smul.u32 $0xA000, s2  }
0x45: {  	_ =	swait.ge [sflag:s22], $0x2800  }
0x46: {  	[sflag:s22] =	ssyncset.done $0x0;
	s2 =	sshrl.u32 s2, $0x2  }
0x47: {  	[sflag:s22] =	ssyncadd.s32 $0xFFFFD800;
	s2 =	sadd.s32 $0x16000, s2  }
0x48: {  	[spmem:s1] =	stream.indirect.scatter.add.f32 [tilespmem:s2], [sflag:$0x2], $0x80, s0, s16, $0xb8;
	v63 =	vld [tilespmem:$0x0]  }
.LBB2_7:
0x49: {  	s30 =	sadd.s32 $0x1, s30  }
0x4a: {  	p0 =	sne.s32 s30, $0x1D  }
.Ltmp5:
0x4b: {  	_ = 	snop;
	(pc) =	sbr.rel @!p0 .LBB2_8-.Ltmp5, $2  }
0x4c: {  	_ =	sdelay $0x2  }
0x4d: {  	s31 =	sadd.s32 $0x80, s31;
	s0 =	sadd.s32 $0x80, s0  }
.LBB2_3:
0x4e: {  	s2 =	sadd.s32 $0xFFFFFFFE, s30  }
0x4f: {  	p0 =	sgt.u32 s2, $0x16  }
.Ltmp6:
0x50: {  	_ = 	snop;
	(pc) =	sbr.rel @!p0 .LBB2_4-.Ltmp6, $4  }
0x51: {  	_ = 	snop  }
0x52: {  	_ =	swait.ge [sflag:s26], $0x2800  }
0x53: {  	[sflag:s26] =	ssyncset.done $0x0  }
0x54: {  	[sflag:s26] =	ssyncadd.s32 $0xFFFFD800  }
0x55: {  	p0 =	sgt.u32 s2, $0x18  }
.Ltmp7:
0x56: {  	_ = 	snop;
	(pc) =	sbr.rel @p0 .LBB2_7-.Ltmp7, $4  }
.Ltmp8:
0x57: {  	_ = 	snop;
	(pc) =	sbr.rel @!p0 .LBB2_6-.Ltmp8, $4  }
0x58: {  	_ = 	snop  }
0x59: {  	_ = 	snop  }
0x5a: {  	_ = 	snop  }
0x5b: {  	_ = 	snop  }
.LBB2_10:
0x5c: {  	_ =	sfence.sel $0x180000  }
0x5d: {  	[bflag:$0x0] =	sbarrier.arrive $0xFFFF  }
0x5e: {  	_ =	strace $0x9000004A  }
0x5f: {  	s0 =	stileid.u32;
	[bflag:$0x2] =	sbarrier.arrive $0xFFFF  }
0x60: {  	p0 =	sne.s32 s0, $0x0;
	s0 =	rddreg [dreg:$0x2]  }
0x61: {  	s0 =	sadd.s32 @!p0 $0x100000, s0  }
0x62: {  	[sflag:s0] =	ssyncadd.tile.s32 @!p0 $0x1;
	_ =	shalt  }
.Lfunc_end2:
_tile_overlayer_lowered:
.L_overlay_start_2:
0x63: {  	(tag) =	ssettag $0x2  }
0x64: {  	s0 =	rddreg [dreg:$0x0];
	s2 =	stileid.u32  }
0x65: {  	s1 =	rddreg [dreg:$0x1];
	p0 =	sne.s32 s2, $0x0  }
0x66: {  	s3 =	rddreg [dreg:$0x2];
	[bflag:$0x3] =	sbarrier.arrive $0xFFFF;
	s2 =	simm.s32 @!p0 $0x1C03  }
0x67: {  	[timem:s3], [sflag:s2] =	dma.local @!p0 [hbm:s0], s1  }
0x68: {  	s0 =	simm.s32 @!p0 $0x3  }
0x69: {  	_ =	swait.ge @!p0 [sflag:s0], s1  }
0x6a: {  	s1 =	ssub.s32 @!p0 $0x0, s1;
	[sflag:s0] =	ssyncset.done @!p0 $0x0  }
0x6b: {  	[sflag:s0] =	ssyncadd.s32 @!p0 s1  }
0x6c: {  	[bflag:$0x3] =	sbarrier.arrive $0xFFFF  }
0x6d: {  	_ =	shalt  }

// kernel: kernel.14.cloned.1.call-start
scs
__scs_entry_jumppad:
0x0: {  	(pc) =	sbr.rel $0x88, $3  }
0x1: {  	(tag) =	ssettag $0x0;
	lr =	simm.s32 $0x1  }
0x2: {  	[smem:$0x3F98] =	sst lr;
	_ =	strace $0xD0000000  }
0x3: {  	_ = 	snop  }
0x4: {  	_ = 	snop  }
0x5: {  	_ = 	snop  }
0x6: {  	_ = 	snop  }
0x7: {  	_ = 	snop  }
__scs_overlays_trampoline_lowered:
0x8: {  	[smem:$0x3FA7] =	sst s0  }
0x9: {  	[smem:$0x3FA8] =	sst s1  }
0xa: {  	[smem:$0x3FA9] =	sst s2  }
0xb: {  	[smem:$0x3FAA] =	sst s3  }
0xc: {  	[smem:$0x3FAB] =	sst s4  }
0xd: {  	[smem:$0x3FAC] =	sst s5  }
0xe: {  	[smem:$0x3FAD] =	sst s6  }
0xf: {  	[smem:$0x3FAE] =	sst s7  }
0x10: {  	[smem:$0x3FAF] =	sst s8  }
0x11: {  	[smem:$0x3FB0] =	sst s9;
	s0 =	simm.s32 @!p0 $0x0  }
0x12: {  	s1 =	sld [smem:$0x3F96];
	s0 =	simm.s32 @p0 $0x1  }
0x13: {  	[smem:$0x3FB1] =	sst s0;
	s0 =	simm.s32 @!p1 $0x0  }
0x14: {  	s2 =	sld [smem:$0x3F95];
	s0 =	simm.s32 @p1 $0x1  }
0x15: {  	[smem:$0x3FB2] =	sst s0;
	s0 =	simm.s32 @!p2 $0x0  }
0x16: {  	s3 =	sld [smem:$0x3FDB];
	s0 =	simm.s32 @p2 $0x1  }
0x17: {  	s4 =	simm.s32 $0x1BF5;
	[smem:$0x3FB4] =	sst s0  }
0x18: {  	s0 =	sld [smem:$0x3F97];
	_ =	swait.ge [sflag:s4], $0x0  }
0x19: {  	s7 =	sld [smem:$0x3F98]  }
0x1a: {  	s8 =	sadd.s32 $0xFFFFE003, lr  }
0x1b: {  	s9 =	sadd.s32 $0xFFFFFEF7, lr;
	s5 =	simm.s32 $0xFFFFFFFF;
	p2 =	slt.u32 s8, $0xFFFFF086  }
0x1c: {  	p1 =	slt.u32 s9, $0xF7A;
	s5 =	simm.s32 @!p2 $0x0  }
0x1d: {  	s5 =	simm.s32 @p1 $0x1;
	p0 =	seq.s32 s7, s2  }
0x1e: {  	s7 =	smul.u32 @!p0 $0xF7A, s2;
	p2 =	seq.s32 @!p0 s5, $0x0  }
0x1f: {  	s9 =	smul.u32 $0xF7A, s1;
	s8 =	simm.s32 @!p0 $0x1BF5;
	p2 =	por !p2, p0  }
0x20: {  	[sflag:s8] =	ssyncset.s32 @!p0 $0xFFFFF086;
	s6 =	sadd.s32 @!p0 s3, s7;
	s7 =	simm.s32 @!p0 $0x108  }
0x21: {  	s3 =	sadd.s32 s3, s9;
	s6 =	sadd.s32 @!p0 $0x88, s6;
	s7 =	simm.s32 @p2 $0x1082  }
0x22: {  	[simem:s7], [sflag:s8] =	dma.local @!p0 [hbm:s6], $0xF7A  }
0x23: {  	s9 =	sor.u32 $0xD0000000, s2;
	s6 =	simm.s32 $0x108;
	_ =	swait.ge @!p0 [sflag:s8], $0x0  }
0x24: {  	s3 =	sadd.s32 $0x88, s3;
	s6 =	simm.s32 @!p1 $0x1082;
	[sflag:s4] =	ssyncset.s32 $0xFFFFF086  }
0x25: {  	[simem:s6], [sflag:s4] =	dma.local [hbm:s3], $0xF7A  }
0x26: {  	[smem:$0x3F98] =	sst s1;
	(tag) =	ssettag s2;
	_ =	strace s9  }
0x27: {  	s1 =	sld [smem:$0x3FA8]  }
0x28: {  	s2 =	sld [smem:$0x3FA9]  }
0x29: {  	s4 =	sld [smem:$0x3FAB]  }
0x2a: {  	p0 =	seq.s32 s5, $0x0;
	s5 =	sld [smem:$0x3FAC]  }
0x2b: {  	s6 =	sld [smem:$0x3FAD]  }
0x2c: {  	s7 =	sld [smem:$0x3FAE]  }
0x2d: {  	s3 =	simm.s32 $0x108;
	s8 =	sld [smem:$0x3FAF]  }
0x2e: {  	s3 =	simm.s32 @!p0 $0x1082;
	s9 =	sld [smem:$0x3FB0]  }
0x2f: {  	lr =	sadd.s32 s0, s3;
	s0 =	sld [smem:$0x3FA7]  }
0x30: {  	s3 =	sld [smem:$0x3FAA]  }
0x31: {  	[smem:$0x3FB3] =	sst s10  }
0x32: {  	s10 =	sld [smem:$0x3FB1];
	_ =	sdelay $0x3  }
0x33: {  	p0 =	seq.s32 s10, $0x1;
	s10 =	sld [smem:$0x3FB3];
	_ =	sdelay $0x3  }
0x34: {  	[smem:$0x3FB3] =	sst s10  }
0x35: {  	s10 =	sld [smem:$0x3FB2];
	_ =	sdelay $0x3  }
0x36: {  	p1 =	seq.s32 s10, $0x1;
	s10 =	sld [smem:$0x3FB3];
	_ =	sdelay $0x3  }
0x37: {  	[smem:$0x3FB3] =	sst s10  }
0x38: {  	s10 =	sld [smem:$0x3FB4]  }
0x39: {  	_ = 	snop;
	(pc) =	sbr.ind lr, $3  }
0x3a: {  	_ = 	snop  }
0x3b: {  	_ = 	snop  }
0x3c: {  	p2 =	seq.s32 s10, $0x1;
	s10 =	sld [smem:$0x3FB3]  }
0x3d: {  	_ =	shalt  }
0x3e: {  	_ =	shalt  }
0x3f: {  	_ =	shalt  }
0x40: {  	_ =	shalt  }
0x41: {  	_ =	shalt  }
0x42: {  	_ =	shalt  }
0x43: {  	_ =	shalt  }
0x44: {  	_ =	shalt  }
0x45: {  	_ =	shalt  }
0x46: {  	_ =	shalt  }
0x47: {  	_ =	shalt  }
0x48: {  	_ =	shalt  }
0x49: {  	_ =	shalt  }
0x4a: {  	_ =	shalt  }
0x4b: {  	_ =	shalt  }
0x4c: {  	_ =	shalt  }
0x4d: {  	_ =	shalt  }
0x4e: {  	_ =	shalt  }
0x4f: {  	_ =	shalt  }
0x50: {  	_ =	shalt  }
0x51: {  	_ =	shalt  }
0x52: {  	_ =	shalt  }
0x53: {  	_ =	shalt  }
0x54: {  	_ =	shalt  }
0x55: {  	_ =	shalt  }
0x56: {  	_ =	shalt  }
0x57: {  	_ =	shalt  }
0x58: {  	_ =	shalt  }
0x59: {  	_ =	shalt  }
0x5a: {  	_ =	shalt  }
0x5b: {  	_ =	shalt  }
0x5c: {  	_ =	shalt  }
0x5d: {  	_ =	shalt  }
0x5e: {  	_ =	shalt  }
0x5f: {  	_ =	shalt  }
0x60: {  	_ =	shalt  }
0x61: {  	_ =	shalt  }
0x62: {  	_ =	shalt  }
0x63: {  	_ =	shalt  }
0x64: {  	_ =	shalt  }
0x65: {  	_ =	shalt  }
0x66: {  	_ =	shalt  }
0x67: {  	_ =	shalt  }
0x68: {  	_ =	shalt  }
0x69: {  	_ =	shalt  }
0x6a: {  	_ =	shalt  }
0x6b: {  	_ =	shalt  }
0x6c: {  	_ =	shalt  }
0x6d: {  	_ =	shalt  }
0x6e: {  	_ =	shalt  }
0x6f: {  	_ =	shalt  }
0x70: {  	_ =	shalt  }
0x71: {  	_ =	shalt  }
0x72: {  	_ =	shalt  }
0x73: {  	_ =	shalt  }
0x74: {  	_ =	shalt  }
0x75: {  	_ =	shalt  }
0x76: {  	_ =	shalt  }
0x77: {  	_ =	shalt  }
0x78: {  	_ =	shalt  }
0x79: {  	_ =	shalt  }
0x7a: {  	_ =	shalt  }
0x7b: {  	_ =	shalt  }
0x7c: {  	_ =	shalt  }
0x7d: {  	_ =	shalt  }
0x7e: {  	_ =	shalt  }
0x7f: {  	_ =	shalt  }
0x80: {  	_ =	shalt  }
0x81: {  	_ =	shalt  }
0x82: {  	_ =	shalt  }
0x83: {  	_ =	shalt  }
0x84: {  	_ =	shalt  }
0x85: {  	_ =	shalt  }
0x86: {  	_ =	shalt  }
0x87: {  	_ =	shalt  }
.Lfunc_end0:
.L_simem_size_0:
called_computation.2_lowered:
.L_overlay_start_0:
0x88: {  	s2 =	sld [smem:$0x3FD9]  }
0x89: {  	s3 =	sld [smem:$0x3FFE];
	_ =	sdelay $0x1  }
0x8a: {  	s1 =	srdreg.scid  }
0x8b: {  	s0 =	sand.u32 $0x1, s1  }
0x8c: {  	s16 =	sshll.u32 s0, $0xA;
	s2 =	sadd.s32 s3, s2  }
0x8d: {  	s2 =	sadd.s32 s2, s16  }
0x8e: {  	[smem:$0x3FBF] =	sst s2  }
0x8f: {  	_ = 	snop  }
0x90: {  	(tm) =	ssettm $0x1  }
0x91: {  	s17 =	sld [smem:$0x3FFB];
	_ =	sdelay $0x3  }
0x92: {  	_ =	strace s17  }
0x93: {  	s2 =	sld [smem:$0x3FFC];
	_ =	sdelay $0x3  }
0x94: {  	_ =	strace s2  }
0x95: {  	s2 =	sld [smem:$0x3FFD];
	_ =	sdelay $0x3  }
0x96: {  	_ =	strace s2  }
0x97: {  	_ =	strace $0x8FFFFFFF  }
0x98: {  	s18 =	sld [smem:$0x3FDB];
	_ =	sdelay $0x1  }
0x99: {  	s19 =	simm.s32 $_scs_section_size  }
0x9a: {  	s4 =	simm.s32 $_size__tile_overlayer_lowered;
	s5 =	simm.s32 $_tile_overlayer_lowered  }
0x9b: {  	s22 =	simm.s32 $0x1BFF;
	s21 =	sshll.u32 s5, $0x1;
	s2 =	sadd.s32 s19, s18  }
0x9c: {  	s6 =	simm.s32 $0x0;
	s20 =	sshll.u32 s4, $0x1;
	s4 =	sadd.s32 s21, s2  }
0x9d: {  	[timem:s6], [sflag:s22] =	dma.local [hbm:s4], s20  }
0x9e: {  	_ =	swait.ge [sflag:s22], s20  }
0x9f: {  	s3 =	ssub.s32 $0x0, s20;
	[sflag:s22] =	ssyncset.done $0x0  }
0xa0: {  	[sflag:s22] =	ssyncadd.s32 s3;
	_ =	sdelay $0x1  }
0xa1: {  	s23 =	simm.s32 $0x1B8B  }
0xa2: {  	_ =	swait.ge [sflag:s23], $0x1  }
0xa3: {  	[sflag:s23] =	ssyncset.done $0x0  }
0xa4: {  	s25 =	simm.s32 $0x1B8E;
	s24 =	sld [smem:$0x3FFE];
	[sflag:s23] =	ssyncadd.s32 $0xFFFFFFFF  }
0xa5: {  	s26 =	simm.s32 $execute0_lowered;
	[smem:$0x3FD2] =	sst s25  }
0xa6: {  	s4 =	sshll.u32 s26, $0x1;
	_ =	strace $0x8000004C;
	[dreg:$0x1] =	wrdreg $0xFFFFFFFF  }
0xa7: {  	s28 =	simm.s32 $_size_execute0_lowered;
	s2 =	sadd.s32 s2, s4;
	[dreg:$0x0] =	wrdreg $0x0  }
0xa8: {  	s4 =	sshll.u32 s28, $0x1;
	[dreg:$0x2] =	wrdreg s2  }
0xa9: {  	[dreg:$0x3] =	wrdreg s4  }
0xaa: {  	[dreg:$0x4] =	wrdreg $0xC0  }
0xab: {  	_ =	task [dreg:s6], $0x5FFFF  }
0xac: {  	[dreg:$0x1] =	wrdreg $0xFFFFFFFF  }
0xad: {  	[dreg:$0x0] =	wrdreg $0x60  }
0xae: {  	[dreg:$0x2] =	wrdreg s24  }
0xaf: {  	[dreg:$0x3] =	wrdreg $0x0  }
0xb0: {  	[dreg:$0x4] =	wrdreg $0x9  }
0xb1: {  	_ =	task.clear_ibuf [dreg:s6], $0x5FFFF;
	_ =	strace $0x9000004C  }
0xb2: {  	s29 =	simm.s32 $0x9;
	_ =	strace $0x8000004E  }
0xb3: {  	_ =	swait.ge [sflag:s29], $0x1  }
0xb4: {  	[sflag:s29] =	ssyncadd.s32 $0xFFFFFFFF  }
0xb5: {  	_ =	strace $0x9000004E  }
0xb6: {  	_ =	sfence  }
0xb7: {  	s30 =	sld [smem:$0x0];
	_ =	sdelay $0x2  }
0xb8: {  	s31 =	sshll.u32 s1, $0xD;
	s1 =	sshrl.u32 s1, $0x2  }
0xb9: {  	s3 =	sand.u32 $0x4000, s31;
	s1 =	sadd.s32 s1, s30  }
0xba: {  	s0 =	sor.u32 s3, s0;
	s1 =	sshll.u32 s1, $0x11  }
0xbb: {  	s0 =	sor.u32 s1, s0  }
0xbc: {  	s0 =	sadd.s32 $0x8F2B, s0  }
0xbd: {  	[sflag:s0] =	ssyncadd.remote.s32 $0x1  }
0xbe: {  	_ =	sfence.sel $0xFFFF  }
0xbf: {  	[dreg:$0x0] =	wrdreg $0xFFFFFFFF;
	(pc) =	sbr.abs _section_cstart, $3  }
0xc0: {  	[dreg:$0x1] =	wrdreg $0xFFFFFFFF  }
0xc1: {  	_ =	task.clear_ibuf [dreg:s6], $0x2FFFF;
	_ =	strace $0x9FFFFFFF  }
0xc2: {  	(tm) =	ssettm $0x7FFFFFFF  }
0xc3: {  	_ =	shalt  }
tec
execute0_lowered:
.L_overlay_start_1:
0x0: {  	(tag) =	ssettag $0x1  }
0x1: {  	s0 =	rddreg [dreg:$0x0]  }
0x2: {  	s1 =	rddreg [dreg:$0x1];
	s2 =	srdreg.scid  }
0x3: {  	s3 =	simm.s32 $0x0;
	s7 =	stileid.u32;
	s13 =	simm.s32 $0x3  }
0x4: {  	s14 =	simm.s32 $0x14000;
	s15 =	simm.s32 $0x15000;
	s16 =	simm.s32 $0x50  }
0x5: {  	s17 =	simm.s32 $0x16000;
	s18 =	simm.s32 $0x14080;
	s19 =	simm.s32 $0x18800  }
0x6: {  	s20 =	simm.s32 $0x14100;
	s21 =	simm.s32 $0x1B000;
	s22 =	simm.s32 $0x1  }
0x7: {  	s23 =	simm.s32 $0x14180;
	s24 =	simm.s32 $0x1D800;
	s25 =	simm.s32 $0x15080  }
0x8: {  	s26 =	simm.s32 $0x2;
	s28 =	simm.s32 $0x0;
	s2 =	sand.u32 $0x1, s2  }
0x9: {  	[smem:$0x7FF] =	sst s3;
	s5 =	sadd.s32 $0xF4A00, s0;
	s6 =	sadd.s32 $0x11CA00, s0  }
0xa: {  	s10 =	smul.u32 $0x50000, s7;
	s11 =	sadd.s32 $0x16A00, s0;
	s31 =	sshll.u32 s7, $0x6  }
0xb: {  	s4 =	sshll.u32 s2, $0x4;
	_ =	strace $0x8000004D;
	s2 =	ssub.s32 $0x2, s2  }
.Ltmp0:
0xc: {  	[dreg:$0x3] =	wrdreg s11;
	s9 =	sor.u32 s7, s4;
	(pc) =	sbr.rel .LBB2_1-.Ltmp0, $4  }
0xd: {  	s29 =	sshrl.u32 s2, $0x1;
	s30 =	sshrl.u32 s10, $0x2;
	s8 =	smul.u32 $0x2800, s9  }
0xe: {  	s4 =	sadd.s32 $0x69800, s0;
	s2 =	ssub.s32 s2, s29;
	s12 =	sadd.s32 s30, s1  }
0xf: {  	s9 =	smul.u32 $0xA, s9;
	s11 =	smax.u32 s2, $0x1;
	s0 =	sadd.s32 s8, s0  }
0x10: {  	s12 =	sshrl.u32 s12, $0x3;
	s8 =	sor.u32 $0x1C03, s31;
	s10 =	sadd.s32 $0x144A00, s0  }
.LBB2_9:
0x11: {  	s28 =	sadd.s32 $0x1, s28  }
0x12: {  	p0 =	sne.s32 s28, s11  }
.Ltmp1:
0x13: {  	[bflag:$0x0] =	sbarrier.arrive $0xFFFF;
	(pc) =	sbr.rel @!p0 .LBB2_10-.Ltmp1, $4  }
0x14: {  	[hbm:s10], [sflag:s8] =	dma.local [spmem:s12], $0x2800  }
0x15: {  	_ =	swait.ge [sflag:s13], $0x2800  }
0x16: {  	[sflag:s13] =	ssyncset.done $0x0  }
0x17: {  	[sflag:s13] =	ssyncadd.s32 $0xFFFFD800  }
.LBB2_1:
0x18: {  	s0 =	rddreg [dreg:$0x3]  }
0x19: {  	[spmem:s12], [sflag:s8] =	dma.local [hbm:s0], $0x2800  }
.Ltmp2:
0x1a: {  	_ =	swait.ge [sflag:s13], $0x2800;
	(pc) =	sbr.rel .LBB2_2-.Ltmp2, $4  }
0x1b: {  	[sflag:s13] =	ssyncset.done $0x0  }
0x1c: {  	[sflag:s13] =	ssyncadd.s32 $0xFFFFD800  }
0x1d: {  	[bflag:$0x0] =	sbarrier.arrive $0xFFFF  }
0x1e: {  	s29 =	simm.s32 $0x0  }
.LBB2_8:
0x1f: {  	s29 =	sadd.s32 $0x1, s29  }
0x20: {  	p0 =	sne.s32 s29, $0xA  }
.Ltmp3:
0x21: {  	_ = 	snop;
	(pc) =	sbr.rel @!p0 .LBB2_9-.Ltmp3, $1  }
0x22: {  	_ =	sdelay $0x3  }
.LBB2_2:
0x23: {  	s0 =	sadd.s32 s9, s29  }
0x24: {  	s0 =	sshll.u32 s0, $0x9  }
0x25: {  	s2 =	sadd.s32 s5, s0  }
0x26: {  	[tilespmem:s14], [sflag:$0x3] =	stream.linear.gather [hbm4b:s2+s3], $0xC80, $0x38;
	v63 =	vld [tilespmem:$0x0]  }
0x27: {  	_ =	swait.ge [sflag:s13], $0xC80  }
0x28: {  	[sflag:s13] =	ssyncset.done $0x0  }
0x29: {  	s0 =	sadd.s32 s6, s0;
	[sflag:s13] =	ssyncadd.s32 $0xFFFFF380  }
0x2a: {  	[tilespmem:s15], [sflag:$0x3] =	stream.linear.gather [hbm4b:s0+s3], $0xC80, $0x38;
	v63 =	vld [tilespmem:$0x0]  }
0x2b: {  	_ =	swait.ge [sflag:s13], $0xC80  }
0x2c: {  	[sflag:s13] =	ssyncset.done $0x0  }
0x2d: {  	[sflag:s13] =	ssyncadd.s32 $0xFFFFF380  }
0x2e: {  	[tilespmem:s17], [sflag:$0x1] =	stream.indirect.gather [hbm4b:s4+s16], $0x80, s14, s16, $0xb8;
	v63 =	vld [tilespmem:$0x0]  }
0x2f: {  	_ = 	snop  }
0x30: {  	[tilespmem:s19], [sflag:$0x1] =	stream.indirect.gather [hbm4b:s4+s16], $0x80, s18, s16, $0xb8;
	v63 =	vld [tilespmem:$0x0]  }
0x31: {  	_ = 	snop  }
0x32: {  	[tilespmem:s21], [sflag:$0x1] =	stream.indirect.gather [hbm4b:s4+s16], $0x80, s20, s16, $0xb8;
	v63 =	vld [tilespmem:$0x0]  }
0x33: {  	_ =	swait.ge [sflag:s22], $0x2800  }
0x34: {  	[sflag:s22] =	ssyncset.done $0x0  }
0x35: {  	[sflag:s22] =	ssyncadd.s32 $0xFFFFD800  }
0x36: {  	[spmem:s1] =	stream.indirect.scatter.add.f32 [tilespmem:s17], [sflag:$0x2], $0x80, s15, s16, $0xb8;
	v63 =	vld [tilespmem:$0x0]  }
0x37: {  	_ = 	snop  }
0x38: {  	[tilespmem:s24], [sflag:$0x1] =	stream.indirect.gather [hbm4b:s4+s16], $0x80, s23, s16, $0xb8;
	v63 =	vld [tilespmem:$0x0]  }
.Ltmp4:
0x39: {  	_ = 	snop;
	(pc) =	sbr.rel .LBB2_3-.Ltmp4, $4  }
0x3a: {  	_ =	swait.ge [sflag:s22], $0x2800  }
0x3b: {  	s30 =	simm.s32 $0x4;
	[sflag:s22] =	ssyncset.done $0x0  }
0x3c: {  	s31 =	simm.s32 $0x14200;
	s0 =	simm.s32 $0x15100;
	[sflag:s22] =	ssyncadd.s32 $0xFFFFD800  }
0x3d: {  	[spmem:s1] =	stream.indirect.scatter.add.f32 [tilespmem:s19], [sflag:$0x2], $0x80, s25, s16, $0xb8;
	v63 =	vld [tilespmem:$0x0]  }
.LBB2_4:
0x3e: {  	s7 =	sand.u32 $0x3, s30  }
0x3f: {  	s7 =	smul.u32 $0xA000, s7;
	_ =	sdelay $0x1  }
0x40: {  	s7 =	sshrl.u32 s7, $0x2  }
0x41: {  	s7 =	sadd.s32 $0x16000, s7  }
0x42: {  	[tilespmem:s7], [sflag:$0x1] =	stream.indirect.gather [hbm4b:s4+s16], $0x80, s31, s16, $0xb8;
	v63 =	vld [tilespmem:$0x0]  }
.LBB2_6:
0x43: {  	s2 =	sand.u32 $0x3, s2  }
0x44: {  	s2 =	smul.u32 $0xA000, s2  }
0x45: {  	_ =	swait.ge [sflag:s22], $0x2800  }
0x46: {  	[sflag:s22] =	ssyncset.done $0x0;
	s2 =	sshrl.u32 s2, $0x2  }
0x47: {  	[sflag:s22] =	ssyncadd.s32 $0xFFFFD800;
	s2 =	sadd.s32 $0x16000, s2  }
0x48: {  	[spmem:s1] =	stream.indirect.scatter.add.f32 [tilespmem:s2], [sflag:$0x2], $0x80, s0, s16, $0xb8;
	v63 =	vld [tilespmem:$0x0]  }
.LBB2_7:
0x49: {  	s30 =	sadd.s32 $0x1, s30  }
0x4a: {  	p0 =	sne.s32 s30, $0x1D  }
.Ltmp5:
0x4b: {  	_ = 	snop;
	(pc) =	sbr.rel @!p0 .LBB2_8-.Ltmp5, $2  }
0x4c: {  	_ =	sdelay $0x2  }
0x4d: {  	s31 =	sadd.s32 $0x80, s31;
	s0 =	sadd.s32 $0x80, s0  }
.LBB2_3:
0x4e: {  	s2 =	sadd.s32 $0xFFFFFFFE, s30  }
0x4f: {  	p0 =	sgt.u32 s2, $0x16  }
.Ltmp6:
0x50: {  	_ = 	snop;
	(pc) =	sbr.rel @!p0 .LBB2_4-.Ltmp6, $4  }
0x51: {  	_ = 	snop  }
0x52: {  	_ =	swait.ge [sflag:s26], $0x2800  }
0x53: {  	[sflag:s26] =	ssyncset.done $0x0  }
0x54: {  	[sflag:s26] =	ssyncadd.s32 $0xFFFFD800  }
0x55: {  	p0 =	sgt.u32 s2, $0x18  }
.Ltmp7:
0x56: {  	_ = 	snop;
	(pc) =	sbr.rel @p0 .LBB2_7-.Ltmp7, $4  }
.Ltmp8:
0x57: {  	_ = 	snop;
	(pc) =	sbr.rel @!p0 .LBB2_6-.Ltmp8, $4  }
0x58: {  	_ = 	snop  }
0x59: {  	_ = 	snop  }
0x5a: {  	_ = 	snop  }
0x5b: {  	_ = 	snop  }
.LBB2_10:
0x5c: {  	_ =	sfence.sel $0x180000  }
0x5d: {  	[bflag:$0x0] =	sbarrier.arrive $0xFFFF  }
0x5e: {  	_ =	strace $0x9000004D  }
0x5f: {  	s0 =	stileid.u32;
	[bflag:$0x2] =	sbarrier.arrive $0xFFFF  }
0x60: {  	p0 =	sne.s32 s0, $0x0;
	s0 =	rddreg [dreg:$0x2]  }
0x61: {  	s0 =	sadd.s32 @!p0 $0x100000, s0  }
0x62: {  	[sflag:s0] =	ssyncadd.tile.s32 @!p0 $0x1;
	_ =	shalt  }
.Lfunc_end2:
_tile_overlayer_lowered:
.L_overlay_start_2:
0x63: {  	(tag) =	ssettag $0x2  }
0x64: {  	s0 =	rddreg [dreg:$0x0];
	s2 =	stileid.u32  }
0x65: {  	s1 =	rddreg [dreg:$0x1];
	p0 =	sne.s32 s2, $0x0  }
0x66: {  	s3 =	rddreg [dreg:$0x2];
	[bflag:$0x3] =	sbarrier.arrive $0xFFFF;
	s2 =	simm.s32 @!p0 $0x1C03  }
0x67: {  	[timem:s3], [sflag:s2] =	dma.local @!p0 [hbm:s0], s1  }
0x68: {  	s0 =	simm.s32 @!p0 $0x3  }
0x69: {  	_ =	swait.ge @!p0 [sflag:s0], s1  }
0x6a: {  	s1 =	ssub.s32 @!p0 $0x0, s1;
	[sflag:s0] =	ssyncset.done @!p0 $0x0  }
0x6b: {  	[sflag:s0] =	ssyncadd.s32 @!p0 s1  }
0x6c: {  	[bflag:$0x3] =	sbarrier.arrive $0xFFFF  }
0x6d: {  	_ =	shalt  }

// kernel: kernel.8.cloned.1.call-start
scs
__scs_entry_jumppad:
0x0: {  	(pc) =	sbr.rel $0x88, $3  }
0x1: {  	(tag) =	ssettag $0x0;
	lr =	simm.s32 $0x1  }
0x2: {  	[smem:$0x3F98] =	sst lr;
	_ =	strace $0xD0000000  }
0x3: {  	_ = 	snop  }
0x4: {  	_ = 	snop  }
0x5: {  	_ = 	snop  }
0x6: {  	_ = 	snop  }
0x7: {  	_ = 	snop  }
__scs_overlays_trampoline_lowered:
0x8: {  	[smem:$0x3FA7] =	sst s0  }
0x9: {  	[smem:$0x3FA8] =	sst s1  }
0xa: {  	[smem:$0x3FA9] =	sst s2  }
0xb: {  	[smem:$0x3FAA] =	sst s3  }
0xc: {  	[smem:$0x3FAB] =	sst s4  }
0xd: {  	[smem:$0x3FAC] =	sst s5  }
0xe: {  	[smem:$0x3FAD] =	sst s6  }
0xf: {  	[smem:$0x3FAE] =	sst s7  }
0x10: {  	[smem:$0x3FAF] =	sst s8  }
0x11: {  	[smem:$0x3FB0] =	sst s9;
	s0 =	simm.s32 @!p0 $0x0  }
0x12: {  	s1 =	sld [smem:$0x3F96];
	s0 =	simm.s32 @p0 $0x1  }
0x13: {  	[smem:$0x3FB1] =	sst s0;
	s0 =	simm.s32 @!p1 $0x0  }
0x14: {  	s2 =	sld [smem:$0x3F95];
	s0 =	simm.s32 @p1 $0x1  }
0x15: {  	[smem:$0x3FB2] =	sst s0;
	s0 =	simm.s32 @!p2 $0x0  }
0x16: {  	s3 =	sld [smem:$0x3FDB];
	s0 =	simm.s32 @p2 $0x1  }
0x17: {  	s4 =	simm.s32 $0x1BF5;
	[smem:$0x3FB4] =	sst s0  }
0x18: {  	s0 =	sld [smem:$0x3F97];
	_ =	swait.ge [sflag:s4], $0x0  }
0x19: {  	s7 =	sld [smem:$0x3F98]  }
0x1a: {  	s8 =	sadd.s32 $0xFFFFE003, lr  }
0x1b: {  	s9 =	sadd.s32 $0xFFFFFEF7, lr;
	s5 =	simm.s32 $0xFFFFFFFF;
	p2 =	slt.u32 s8, $0xFFFFF086  }
0x1c: {  	p1 =	slt.u32 s9, $0xF7A;
	s5 =	simm.s32 @!p2 $0x0  }
0x1d: {  	s5 =	simm.s32 @p1 $0x1;
	p0 =	seq.s32 s7, s2  }
0x1e: {  	s7 =	smul.u32 @!p0 $0xF7A, s2;
	p2 =	seq.s32 @!p0 s5, $0x0  }
0x1f: {  	s9 =	smul.u32 $0xF7A, s1;
	s8 =	simm.s32 @!p0 $0x1BF5;
	p2 =	por !p2, p0  }
0x20: {  	[sflag:s8] =	ssyncset.s32 @!p0 $0xFFFFF086;
	s6 =	sadd.s32 @!p0 s3, s7;
	s7 =	simm.s32 @!p0 $0x108  }
0x21: {  	s3 =	sadd.s32 s3, s9;
	s6 =	sadd.s32 @!p0 $0x88, s6;
	s7 =	simm.s32 @p2 $0x1082  }
0x22: {  	[simem:s7], [sflag:s8] =	dma.local @!p0 [hbm:s6], $0xF7A  }
0x23: {  	s9 =	sor.u32 $0xD0000000, s2;
	s6 =	simm.s32 $0x108;
	_ =	swait.ge @!p0 [sflag:s8], $0x0  }
0x24: {  	s3 =	sadd.s32 $0x88, s3;
	s6 =	simm.s32 @!p1 $0x1082;
	[sflag:s4] =	ssyncset.s32 $0xFFFFF086  }
0x25: {  	[simem:s6], [sflag:s4] =	dma.local [hbm:s3], $0xF7A  }
0x26: {  	[smem:$0x3F98] =	sst s1;
	(tag) =	ssettag s2;
	_ =	strace s9  }
0x27: {  	s1 =	sld [smem:$0x3FA8]  }
0x28: {  	s2 =	sld [smem:$0x3FA9]  }
0x29: {  	s4 =	sld [smem:$0x3FAB]  }
0x2a: {  	p0 =	seq.s32 s5, $0x0;
	s5 =	sld [smem:$0x3FAC]  }
0x2b: {  	s6 =	sld [smem:$0x3FAD]  }
0x2c: {  	s7 =	sld [smem:$0x3FAE]  }
0x2d: {  	s3 =	simm.s32 $0x108;
	s8 =	sld [smem:$0x3FAF]  }
0x2e: {  	s3 =	simm.s32 @!p0 $0x1082;
	s9 =	sld [smem:$0x3FB0]  }
0x2f: {  	lr =	sadd.s32 s0, s3;
	s0 =	sld [smem:$0x3FA7]  }
0x30: {  	s3 =	sld [smem:$0x3FAA]  }
0x31: {  	[smem:$0x3FB3] =	sst s10  }
0x32: {  	s10 =	sld [smem:$0x3FB1];
	_ =	sdelay $0x3  }
0x33: {  	p0 =	seq.s32 s10, $0x1;
	s10 =	sld [smem:$0x3FB3];
	_ =	sdelay $0x3  }
0x34: {  	[smem:$0x3FB3] =	sst s10  }
0x35: {  	s10 =	sld [smem:$0x3FB2];
	_ =	sdelay $0x3  }
0x36: {  	p1 =	seq.s32 s10, $0x1;
	s10 =	sld [smem:$0x3FB3];
	_ =	sdelay $0x3  }
0x37: {  	[smem:$0x3FB3] =	sst s10  }
0x38: {  	s10 =	sld [smem:$0x3FB4]  }
0x39: {  	_ = 	snop;
	(pc) =	sbr.ind lr, $3  }
0x3a: {  	_ = 	snop  }
0x3b: {  	_ = 	snop  }
0x3c: {  	p2 =	seq.s32 s10, $0x1;
	s10 =	sld [smem:$0x3FB3]  }
0x3d: {  	_ =	shalt  }
0x3e: {  	_ =	shalt  }
0x3f: {  	_ =	shalt  }
0x40: {  	_ =	shalt  }
0x41: {  	_ =	shalt  }
0x42: {  	_ =	shalt  }
0x43: {  	_ =	shalt  }
0x44: {  	_ =	shalt  }
0x45: {  	_ =	shalt  }
0x46: {  	_ =	shalt  }
0x47: {  	_ =	shalt  }
0x48: {  	_ =	shalt  }
0x49: {  	_ =	shalt  }
0x4a: {  	_ =	shalt  }
0x4b: {  	_ =	shalt  }
0x4c: {  	_ =	shalt  }
0x4d: {  	_ =	shalt  }
0x4e: {  	_ =	shalt  }
0x4f: {  	_ =	shalt  }
0x50: {  	_ =	shalt  }
0x51: {  	_ =	shalt  }
0x52: {  	_ =	shalt  }
0x53: {  	_ =	shalt  }
0x54: {  	_ =	shalt  }
0x55: {  	_ =	shalt  }
0x56: {  	_ =	shalt  }
0x57: {  	_ =	shalt  }
0x58: {  	_ =	shalt  }
0x59: {  	_ =	shalt  }
0x5a: {  	_ =	shalt  }
0x5b: {  	_ =	shalt  }
0x5c: {  	_ =	shalt  }
0x5d: {  	_ =	shalt  }
0x5e: {  	_ =	shalt  }
0x5f: {  	_ =	shalt  }
0x60: {  	_ =	shalt  }
0x61: {  	_ =	shalt  }
0x62: {  	_ =	shalt  }
0x63: {  	_ =	shalt  }
0x64: {  	_ =	shalt  }
0x65: {  	_ =	shalt  }
0x66: {  	_ =	shalt  }
0x67: {  	_ =	shalt  }
0x68: {  	_ =	shalt  }
0x69: {  	_ =	shalt  }
0x6a: {  	_ =	shalt  }
0x6b: {  	_ =	shalt  }
0x6c: {  	_ =	shalt  }
0x6d: {  	_ =	shalt  }
0x6e: {  	_ =	shalt  }
0x6f: {  	_ =	shalt  }
0x70: {  	_ =	shalt  }
0x71: {  	_ =	shalt  }
0x72: {  	_ =	shalt  }
0x73: {  	_ =	shalt  }
0x74: {  	_ =	shalt  }
0x75: {  	_ =	shalt  }
0x76: {  	_ =	shalt  }
0x77: {  	_ =	shalt  }
0x78: {  	_ =	shalt  }
0x79: {  	_ =	shalt  }
0x7a: {  	_ =	shalt  }
0x7b: {  	_ =	shalt  }
0x7c: {  	_ =	shalt  }
0x7d: {  	_ =	shalt  }
0x7e: {  	_ =	shalt  }
0x7f: {  	_ =	shalt  }
0x80: {  	_ =	shalt  }
0x81: {  	_ =	shalt  }
0x82: {  	_ =	shalt  }
0x83: {  	_ =	shalt  }
0x84: {  	_ =	shalt  }
0x85: {  	_ =	shalt  }
0x86: {  	_ =	shalt  }
0x87: {  	_ =	shalt  }
.Lfunc_end0:
.L_simem_size_0:
called_computation_lowered:
.L_overlay_start_0:
0x88: {  	s2 =	sld [smem:$0x3FD9]  }
0x89: {  	s3 =	sld [smem:$0x3FFE];
	_ =	sdelay $0x1  }
0x8a: {  	s1 =	srdreg.scid  }
0x8b: {  	s0 =	sand.u32 $0x1, s1  }
0x8c: {  	s16 =	sshll.u32 s0, $0xA;
	s2 =	sadd.s32 s3, s2  }
0x8d: {  	s2 =	sadd.s32 s2, s16  }
0x8e: {  	[smem:$0x3FBF] =	sst s2  }
0x8f: {  	_ = 	snop  }
0x90: {  	(tm) =	ssettm $0x1  }
0x91: {  	s17 =	sld [smem:$0x3FFB];
	_ =	sdelay $0x3  }
0x92: {  	_ =	strace s17  }
0x93: {  	s2 =	sld [smem:$0x3FFC];
	_ =	sdelay $0x3  }
0x94: {  	_ =	strace s2  }
0x95: {  	s2 =	sld [smem:$0x3FFD];
	_ =	sdelay $0x3  }
0x96: {  	_ =	strace s2  }
0x97: {  	_ =	strace $0x8FFFFFFF  }
0x98: {  	s18 =	sld [smem:$0x3FDB];
	_ =	sdelay $0x1  }
0x99: {  	s19 =	simm.s32 $_scs_section_size  }
0x9a: {  	s4 =	simm.s32 $_size__tile_overlayer_lowered;
	s5 =	simm.s32 $_tile_overlayer_lowered  }
0x9b: {  	s22 =	simm.s32 $0x1BFF;
	s21 =	sshll.u32 s5, $0x1;
	s2 =	sadd.s32 s19, s18  }
0x9c: {  	s6 =	simm.s32 $0x0;
	s20 =	sshll.u32 s4, $0x1;
	s4 =	sadd.s32 s21, s2  }
0x9d: {  	[timem:s6], [sflag:s22] =	dma.local [hbm:s4], s20  }
0x9e: {  	_ =	swait.ge [sflag:s22], s20  }
0x9f: {  	s3 =	ssub.s32 $0x0, s20;
	[sflag:s22] =	ssyncset.done $0x0  }
0xa0: {  	[sflag:s22] =	ssyncadd.s32 s3;
	_ =	sdelay $0x1  }
0xa1: {  	s23 =	simm.s32 $0x1B8B  }
0xa2: {  	_ =	swait.ge [sflag:s23], $0x1  }
0xa3: {  	[sflag:s23] =	ssyncset.done $0x0  }
0xa4: {  	s25 =	simm.s32 $0x1B8E;
	s24 =	sld [smem:$0x3FFE];
	[sflag:s23] =	ssyncadd.s32 $0xFFFFFFFF  }
0xa5: {  	s26 =	simm.s32 $execute0_lowered;
	[smem:$0x3FD2] =	sst s25  }
0xa6: {  	s4 =	sshll.u32 s26, $0x1;
	_ =	strace $0x80000046;
	[dreg:$0x1] =	wrdreg $0xFFFFFFFF  }
0xa7: {  	s28 =	simm.s32 $_size_execute0_lowered;
	s2 =	sadd.s32 s2, s4;
	[dreg:$0x0] =	wrdreg $0x0  }
0xa8: {  	s4 =	sshll.u32 s28, $0x1;
	[dreg:$0x2] =	wrdreg s2  }
0xa9: {  	[dreg:$0x3] =	wrdreg s4  }
0xaa: {  	[dreg:$0x4] =	wrdreg $0xC0  }
0xab: {  	_ =	task [dreg:s6], $0x5FFFF  }
0xac: {  	[dreg:$0x1] =	wrdreg $0xFFFFFFFF  }
0xad: {  	[dreg:$0x0] =	wrdreg $0x60  }
0xae: {  	[dreg:$0x2] =	wrdreg s24  }
0xaf: {  	[dreg:$0x3] =	wrdreg $0x0  }
0xb0: {  	[dreg:$0x4] =	wrdreg $0x9  }
0xb1: {  	_ =	task.clear_ibuf [dreg:s6], $0x5FFFF;
	_ =	strace $0x90000046  }
0xb2: {  	s29 =	simm.s32 $0x9;
	_ =	strace $0x80000048  }
0xb3: {  	_ =	swait.ge [sflag:s29], $0x1  }
0xb4: {  	[sflag:s29] =	ssyncadd.s32 $0xFFFFFFFF  }
0xb5: {  	_ =	strace $0x90000048  }
0xb6: {  	_ =	sfence  }
0xb7: {  	s30 =	sld [smem:$0x0];
	_ =	sdelay $0x2  }
0xb8: {  	s31 =	sshll.u32 s1, $0xD;
	s1 =	sshrl.u32 s1, $0x2  }
0xb9: {  	s3 =	sand.u32 $0x4000, s31;
	s1 =	sadd.s32 s1, s30  }
0xba: {  	s0 =	sor.u32 s3, s0;
	s1 =	sshll.u32 s1, $0x11  }
0xbb: {  	s0 =	sor.u32 s1, s0  }
0xbc: {  	s0 =	sadd.s32 $0x8F2B, s0  }
0xbd: {  	[sflag:s0] =	ssyncadd.remote.s32 $0x1  }
0xbe: {  	_ =	sfence.sel $0xFFFF  }
0xbf: {  	[dreg:$0x0] =	wrdreg $0xFFFFFFFF;
	(pc) =	sbr.abs _section_cstart, $3  }
0xc0: {  	[dreg:$0x1] =	wrdreg $0xFFFFFFFF  }
0xc1: {  	_ =	task.clear_ibuf [dreg:s6], $0x2FFFF;
	_ =	strace $0x9FFFFFFF  }
0xc2: {  	(tm) =	ssettm $0x7FFFFFFF  }
0xc3: {  	_ =	shalt  }
tec
execute0_lowered:
.L_overlay_start_1:
0x0: {  	(tag) =	ssettag $0x1  }
0x1: {  	s0 =	rddreg [dreg:$0x0]  }
0x2: {  	s1 =	rddreg [dreg:$0x1]  }
0x3: {  	s2 =	srdreg.scid;
	s3 =	simm.s32 $0x0;
	s9 =	stileid.u32  }
0x4: {  	s10 =	simm.s32 $0x2;
	s11 =	simm.s32 $0x15000;
	s24 =	simm.s32 $0x14080  }
0x5: {  	s12 =	simm.s32 $0x14000;
	s25 =	simm.s32 $0x14100;
	s13 =	simm.s32 $0x50  }
0x6: {  	s26 =	simm.s32 $0x14180;
	s14 =	simm.s32 $0x14200;
	s15 =	simm.s32 $0x1  }
0x7: {  	s16 =	simm.s32 $0x14280;
	s17 =	simm.s32 $0x14300;
	s18 =	simm.s32 $0x14380  }
0x8: {  	s28 =	simm.s32 $0x14800;
	s29 =	simm.s32 $0x14880;
	s30 =	simm.s32 $0x14900  }
0x9: {  	s31 =	simm.s32 $0x14980;
	[smem:$0x7FF] =	sst s3;
	s6 =	sadd.s32 $0x19200, s0  }
0xa: {  	s7 =	sadd.s32 $0x16A00, s0;
	_ =	strace $0x80000047;
	[dreg:$0x7] =	wrdreg s6  }
0xb: {  	s2 =	sand.u32 $0x1, s2;
	s19 =	smul.u32 $0x50000, s9;
	[dreg:$0x8] =	wrdreg s7  }
0xc: {  	s8 =	smul.u32 $0xA00, s9;
	s22 =	sshll.u32 s9, $0x6;
	[dreg:$0x4] =	wrdreg s24  }
0xd: {  	s4 =	smul.u32 $0xA000, s2;
	s5 =	sshll.u32 s2, $0x4;
	[dreg:$0x5] =	wrdreg s25  }
0xe: {  	s2 =	ssub.s32 $0x2, s2;
	[dreg:$0x6] =	wrdreg s26;
	s24 =	simm.s32 $0x14680  }
0xf: {  	s25 =	simm.s32 $0x14700;
	s26 =	simm.s32 $0x14780;
	s7 =	simm.s32 $0x14C00  }
0x10: {  	s6 =	simm.s32 $0x0;
	s5 =	sor.u32 s9, s5;
	s20 =	sshrl.u32 s2, $0x1  }
0x11: {  	s21 =	sshrl.u32 s19, $0x2;
	s19 =	simm.s32 $0x14400;
	[dreg:$0xd] =	wrdreg s6  }
0x12: {  	s4 =	sadd.s32 s4, s0;
	s5 =	smul.u32 $0x2800, s5;
	s2 =	ssub.s32 s2, s20  }
0x13: {  	s20 =	simm.s32 $0x14480;
	s4 =	sadd.s32 s8, s4;
	s8 =	sor.u32 $0x1C02, s22  }
0x14: {  	s2 =	smax.u32 s2, $0x1;
	s22 =	simm.s32 $0x14580;
	s0 =	sadd.s32 s5, s0  }
0x15: {  	s5 =	sadd.s32 s21, s1;
	s23 =	sadd.s32 $0x2A00, s4;
	[dreg:$0xb] =	wrdreg s2  }
0x16: {  	s21 =	simm.s32 $0x14500;
	s2 =	simm.s32 $0x14A80;
	[dreg:$0x9] =	wrdreg s8  }
0x17: {  	s4 =	simm.s32 $0x14B00;
	s0 =	sadd.s32 $0x19800, s0;
	[dreg:$0x3] =	wrdreg s23  }
0x18: {  	s9 =	sshrl.u32 s5, $0x3;
	s23 =	simm.s32 $0x14600;
	[dreg:$0xa] =	wrdreg s0  }
0x19: {  	s5 =	simm.s32 $0x14B80;
	s0 =	simm.s32 $0x14A00;
	[dreg:$0xc] =	wrdreg s9  }
.LBB2_1:
0x1a: {  	s6 =	rddreg [dreg:$0x8]  }
0x1b: {  	[spmem:s9], [sflag:s8] =	dma.local [hbm:s6], $0x2800  }
0x1c: {  	_ =	swait.ge [sflag:s10], $0x2800  }
0x1d: {  	[sflag:s10] =	ssyncset.done $0x0  }
0x1e: {  	s8 =	rddreg [dreg:$0x7];
	[sflag:s10] =	ssyncadd.s32 $0xFFFFD800  }
0x1f: {  	[tilespmem:s11], [sflag:$0x2] =	stream.linear.gather [hbm4b:s8+s3], $0x2800, $0x38;
	[tilespmem:$0x17800] =	vst v63  }
0x20: {  	_ =	swait.ge [sflag:s10], $0x2800  }
0x21: {  	[sflag:s10] =	ssyncset.done $0x0  }
0x22: {  	[sflag:s10] =	ssyncadd.s32 $0xFFFFD800  }
0x23: {  	[bflag:$0x0] =	sbarrier.arrive $0xFFFF  }
0x24: {  	s9 =	rddreg [dreg:$0x3]  }
0x25: {  	s6 =	sadd.s32 $0x0, s9  }
0x26: {  	[tilespmem:s12], [sflag:$0x2] =	stream.linear.gather [hbm4b:s6+s3], $0xC80, $0x38;
	[tilespmem:$0x17800] =	vst v63  }
0x27: {  	_ =	swait.ge [sflag:s10], $0xC80  }
0x28: {  	[sflag:s10] =	ssyncset.done $0x0  }
0x29: {  	[sflag:s10] =	ssyncadd.s32 $0xFFFFF380  }
0x2a: {  	[spmem:s1] =	stream.indirect.scatter.add.f32 [tilespmem:s11], [sflag:$0x1], $0x80, s12, s13, $0xb8;
	[tilespmem:$0x17800] =	vst v63  }
0x2b: {  	s8 =	rddreg [dreg:$0x4]  }
0x2c: {  	[spmem:s1] =	stream.indirect.scatter.add.f32 [tilespmem:s11], [sflag:$0x1], $0x80, s8, s13, $0xb8;
	[tilespmem:$0x17800] =	vst v63  }
0x2d: {  	s9 =	rddreg [dreg:$0x5]  }
0x2e: {  	[spmem:s1] =	stream.indirect.scatter.add.f32 [tilespmem:s11], [sflag:$0x1], $0x80, s9, s13, $0xb8;
	[tilespmem:$0x17800] =	vst v63  }
0x2f: {  	s8 =	rddreg [dreg:$0x6]  }
0x30: {  	[spmem:s1] =	stream.indirect.scatter.add.f32 [tilespmem:s11], [sflag:$0x1], $0x80, s8, s13, $0xb8;
	[tilespmem:$0x17800] =	vst v63  }
0x31: {  	_ = 	snop  }
0x32: {  	[spmem:s1] =	stream.indirect.scatter.add.f32 [tilespmem:s11], [sflag:$0x1], $0x80, s14, s13, $0xb8;
	[tilespmem:$0x17800] =	vst v63  }
0x33: {  	_ =	swait.ge [sflag:s15], $0x2800  }
0x34: {  	[sflag:s15] =	ssyncset.done $0x0  }
0x35: {  	[sflag:s15] =	ssyncadd.s32 $0xFFFFD800  }
0x36: {  	[spmem:s1] =	stream.indirect.scatter.add.f32 [tilespmem:s11], [sflag:$0x1], $0x80, s16, s13, $0xb8;
	[tilespmem:$0x17800] =	vst v63  }
0x37: {  	_ =	swait.ge [sflag:s15], $0x2800  }
0x38: {  	[sflag:s15] =	ssyncset.done $0x0  }
0x39: {  	[sflag:s15] =	ssyncadd.s32 $0xFFFFD800  }
0x3a: {  	[spmem:s1] =	stream.indirect.scatter.add.f32 [tilespmem:s11], [sflag:$0x1], $0x80, s17, s13, $0xb8;
	[tilespmem:$0x17800] =	vst v63  }
0x3b: {  	_ =	swait.ge [sflag:s15], $0x2800  }
0x3c: {  	[sflag:s15] =	ssyncset.done $0x0  }
0x3d: {  	[sflag:s15] =	ssyncadd.s32 $0xFFFFD800  }
0x3e: {  	[spmem:s1] =	stream.indirect.scatter.add.f32 [tilespmem:s11], [sflag:$0x1], $0x80, s18, s13, $0xb8;
	[tilespmem:$0x17800] =	vst v63  }
0x3f: {  	_ =	swait.ge [sflag:s15], $0x2800  }
0x40: {  	[sflag:s15] =	ssyncset.done $0x0  }
0x41: {  	[sflag:s15] =	ssyncadd.s32 $0xFFFFD800  }
0x42: {  	[spmem:s1] =	stream.indirect.scatter.add.f32 [tilespmem:s11], [sflag:$0x1], $0x80, s19, s13, $0xb8;
	[tilespmem:$0x17800] =	vst v63  }
0x43: {  	_ =	swait.ge [sflag:s15], $0x2800  }
0x44: {  	[sflag:s15] =	ssyncset.done $0x0  }
0x45: {  	[sflag:s15] =	ssyncadd.s32 $0xFFFFD800  }
0x46: {  	[spmem:s1] =	stream.indirect.scatter.add.f32 [tilespmem:s11], [sflag:$0x1], $0x80, s20, s13, $0xb8;
	[tilespmem:$0x17800] =	vst v63  }
0x47: {  	_ =	swait.ge [sflag:s15], $0x2800  }
0x48: {  	[sflag:s15] =	ssyncset.done $0x0  }
0x49: {  	[sflag:s15] =	ssyncadd.s32 $0xFFFFD800  }
0x4a: {  	[spmem:s1] =	stream.indirect.scatter.add.f32 [tilespmem:s11], [sflag:$0x1], $0x80, s21, s13, $0xb8;
	[tilespmem:$0x17800] =	vst v63  }
0x4b: {  	_ =	swait.ge [sflag:s15], $0x2800  }
0x4c: {  	[sflag:s15] =	ssyncset.done $0x0  }
0x4d: {  	[sflag:s15] =	ssyncadd.s32 $0xFFFFD800  }
0x4e: {  	[spmem:s1] =	stream.indirect.scatter.add.f32 [tilespmem:s11], [sflag:$0x1], $0x80, s22, s13, $0xb8;
	[tilespmem:$0x17800] =	vst v63  }
0x4f: {  	_ =	swait.ge [sflag:s15], $0x2800  }
0x50: {  	[sflag:s15] =	ssyncset.done $0x0  }
0x51: {  	[sflag:s15] =	ssyncadd.s32 $0xFFFFD800  }
0x52: {  	[spmem:s1] =	stream.indirect.scatter.add.f32 [tilespmem:s11], [sflag:$0x1], $0x80, s23, s13, $0xb8;
	[tilespmem:$0x17800] =	vst v63  }
0x53: {  	_ =	swait.ge [sflag:s15], $0x2800  }
0x54: {  	[sflag:s15] =	ssyncset.done $0x0  }
0x55: {  	[sflag:s15] =	ssyncadd.s32 $0xFFFFD800  }
0x56: {  	[spmem:s1] =	stream.indirect.scatter.add.f32 [tilespmem:s11], [sflag:$0x1], $0x80, s24, s13, $0xb8;
	[tilespmem:$0x17800] =	vst v63  }
0x57: {  	_ =	swait.ge [sflag:s15], $0x2800  }
0x58: {  	[sflag:s15] =	ssyncset.done $0x0  }
0x59: {  	[sflag:s15] =	ssyncadd.s32 $0xFFFFD800  }
0x5a: {  	[spmem:s1] =	stream.indirect.scatter.add.f32 [tilespmem:s11], [sflag:$0x1], $0x80, s25, s13, $0xb8;
	[tilespmem:$0x17800] =	vst v63  }
0x5b: {  	_ =	swait.ge [sflag:s15], $0x2800  }
0x5c: {  	[sflag:s15] =	ssyncset.done $0x0  }
0x5d: {  	[sflag:s15] =	ssyncadd.s32 $0xFFFFD800  }
0x5e: {  	[spmem:s1] =	stream.indirect.scatter.add.f32 [tilespmem:s11], [sflag:$0x1], $0x80, s26, s13, $0xb8;
	[tilespmem:$0x17800] =	vst v63  }
0x5f: {  	_ =	swait.ge [sflag:s15], $0x2800  }
0x60: {  	[sflag:s15] =	ssyncset.done $0x0  }
0x61: {  	[sflag:s15] =	ssyncadd.s32 $0xFFFFD800  }
0x62: {  	[spmem:s1] =	stream.indirect.scatter.add.f32 [tilespmem:s11], [sflag:$0x1], $0x80, s28, s13, $0xb8;
	[tilespmem:$0x17800] =	vst v63  }
0x63: {  	_ =	swait.ge [sflag:s15], $0x2800  }
0x64: {  	[sflag:s15] =	ssyncset.done $0x0  }
0x65: {  	[sflag:s15] =	ssyncadd.s32 $0xFFFFD800  }
0x66: {  	[spmem:s1] =	stream.indirect.scatter.add.f32 [tilespmem:s11], [sflag:$0x1], $0x80, s29, s13, $0xb8;
	[tilespmem:$0x17800] =	vst v63  }
0x67: {  	_ =	swait.ge [sflag:s15], $0x2800  }
0x68: {  	[sflag:s15] =	ssyncset.done $0x0  }
0x69: {  	[sflag:s15] =	ssyncadd.s32 $0xFFFFD800  }
0x6a: {  	[spmem:s1] =	stream.indirect.scatter.add.f32 [tilespmem:s11], [sflag:$0x1], $0x80, s30, s13, $0xb8;
	[tilespmem:$0x17800] =	vst v63  }
0x6b: {  	_ =	swait.ge [sflag:s15], $0x2800  }
0x6c: {  	[sflag:s15] =	ssyncset.done $0x0  }
0x6d: {  	[sflag:s15] =	ssyncadd.s32 $0xFFFFD800  }
0x6e: {  	[spmem:s1] =	stream.indirect.scatter.add.f32 [tilespmem:s11], [sflag:$0x1], $0x80, s31, s13, $0xb8;
	[tilespmem:$0x17800] =	vst v63  }
0x6f: {  	_ =	swait.ge [sflag:s15], $0x2800  }
0x70: {  	[sflag:s15] =	ssyncset.done $0x0  }
0x71: {  	[sflag:s15] =	ssyncadd.s32 $0xFFFFD800  }
0x72: {  	[spmem:s1] =	stream.indirect.scatter.add.f32 [tilespmem:s11], [sflag:$0x1], $0x80, s0, s13, $0xb8;
	[tilespmem:$0x17800] =	vst v63  }
0x73: {  	_ =	swait.ge [sflag:s15], $0x2800  }
0x74: {  	[sflag:s15] =	ssyncset.done $0x0  }
0x75: {  	[sflag:s15] =	ssyncadd.s32 $0xFFFFD800  }
0x76: {  	[spmem:s1] =	stream.indirect.scatter.add.f32 [tilespmem:s11], [sflag:$0x1], $0x80, s2, s13, $0xb8;
	[tilespmem:$0x17800] =	vst v63  }
0x77: {  	_ =	swait.ge [sflag:s15], $0x2800  }
0x78: {  	[sflag:s15] =	ssyncset.done $0x0  }
0x79: {  	[sflag:s15] =	ssyncadd.s32 $0xFFFFD800  }
0x7a: {  	[spmem:s1] =	stream.indirect.scatter.add.f32 [tilespmem:s11], [sflag:$0x1], $0x80, s4, s13, $0xb8;
	[tilespmem:$0x17800] =	vst v63  }
0x7b: {  	_ =	swait.ge [sflag:s15], $0x2800  }
0x7c: {  	[sflag:s15] =	ssyncset.done $0x0  }
0x7d: {  	[sflag:s15] =	ssyncadd.s32 $0xFFFFD800  }
0x7e: {  	[spmem:s1] =	stream.indirect.scatter.add.f32 [tilespmem:s11], [sflag:$0x1], $0x80, s5, s13, $0xb8;
	[tilespmem:$0x17800] =	vst v63  }
0x7f: {  	_ =	swait.ge [sflag:s15], $0x2800  }
0x80: {  	[sflag:s15] =	ssyncset.done $0x0  }
0x81: {  	[sflag:s15] =	ssyncadd.s32 $0xFFFFD800  }
0x82: {  	[spmem:s1] =	stream.indirect.scatter.add.f32 [tilespmem:s11], [sflag:$0x1], $0x80, s7, s13, $0xb8;
	[tilespmem:$0x17800] =	vst v63  }
0x83: {  	_ =	swait.ge [sflag:s15], $0x2800  }
0x84: {  	[sflag:s15] =	ssyncset.done $0x0  }
0x85: {  	[sflag:s15] =	ssyncadd.s32 $0xFFFFD800  }
0x86: {  	_ =	swait.ge [sflag:s15], $0x2800  }
0x87: {  	[sflag:s15] =	ssyncset.done $0x0  }
0x88: {  	[sflag:s15] =	ssyncadd.s32 $0xFFFFD800  }
0x89: {  	_ =	swait.ge [sflag:s15], $0x2800  }
0x8a: {  	[sflag:s15] =	ssyncset.done $0x0  }
0x8b: {  	[sflag:s15] =	ssyncadd.s32 $0xFFFFD800  }
0x8c: {  	_ =	swait.ge [sflag:s15], $0x2800  }
0x8d: {  	[sflag:s15] =	ssyncset.done $0x0  }
0x8e: {  	[sflag:s15] =	ssyncadd.s32 $0xFFFFD800  }
0x8f: {  	s6 =	simm.s32 $0x200;
	_ =	swait.ge [sflag:s15], $0x2800  }
.LBB2_2:
0x90: {  	s9 =	rddreg [dreg:$0x3];
	s8 =	smov.u32 s6;
	[sflag:s15] =	ssyncset.done $0x0  }
0x91: {  	s8 =	sadd.s32 s8, s9;
	[sflag:s15] =	ssyncadd.s32 $0xFFFFD800  }
0x92: {  	[tilespmem:s12], [sflag:$0x2] =	stream.linear.gather [hbm4b:s8+s3], $0xC80, $0x38;
	[tilespmem:$0x17800] =	vst v63  }
0x93: {  	_ =	swait.ge [sflag:s10], $0xC80  }
0x94: {  	[sflag:s10] =	ssyncset.done $0x0  }
0x95: {  	[sflag:s10] =	ssyncadd.s32 $0xFFFFF380  }
0x96: {  	[spmem:s1] =	stream.indirect.scatter.add.f32 [tilespmem:s11], [sflag:$0x1], $0x80, s12, s13, $0xb8;
	[tilespmem:$0x17800] =	vst v63  }
0x97: {  	s8 =	rddreg [dreg:$0x4]  }
0x98: {  	[spmem:s1] =	stream.indirect.scatter.add.f32 [tilespmem:s11], [sflag:$0x1], $0x80, s8, s13, $0xb8;
	[tilespmem:$0x17800] =	vst v63  }
0x99: {  	s9 =	rddreg [dreg:$0x5]  }
0x9a: {  	[spmem:s1] =	stream.indirect.scatter.add.f32 [tilespmem:s11], [sflag:$0x1], $0x80, s9, s13, $0xb8;
	[tilespmem:$0x17800] =	vst v63  }
0x9b: {  	s8 =	rddreg [dreg:$0x6]  }
0x9c: {  	[spmem:s1] =	stream.indirect.scatter.add.f32 [tilespmem:s11], [sflag:$0x1], $0x80, s8, s13, $0xb8;
	[tilespmem:$0x17800] =	vst v63  }
0x9d: {  	_ = 	snop  }
0x9e: {  	[spmem:s1] =	stream.indirect.scatter.add.f32 [tilespmem:s11], [sflag:$0x1], $0x80, s14, s13, $0xb8;
	[tilespmem:$0x17800] =	vst v63  }
0x9f: {  	_ =	swait.ge [sflag:s15], $0x2800  }
0xa0: {  	[sflag:s15] =	ssyncset.done $0x0  }
0xa1: {  	[sflag:s15] =	ssyncadd.s32 $0xFFFFD800  }
0xa2: {  	[spmem:s1] =	stream.indirect.scatter.add.f32 [tilespmem:s11], [sflag:$0x1], $0x80, s16, s13, $0xb8;
	[tilespmem:$0x17800] =	vst v63  }
0xa3: {  	_ =	swait.ge [sflag:s15], $0x2800  }
0xa4: {  	[sflag:s15] =	ssyncset.done $0x0  }
0xa5: {  	[sflag:s15] =	ssyncadd.s32 $0xFFFFD800  }
0xa6: {  	[spmem:s1] =	stream.indirect.scatter.add.f32 [tilespmem:s11], [sflag:$0x1], $0x80, s17, s13, $0xb8;
	[tilespmem:$0x17800] =	vst v63  }
0xa7: {  	_ =	swait.ge [sflag:s15], $0x2800  }
0xa8: {  	[sflag:s15] =	ssyncset.done $0x0  }
0xa9: {  	[sflag:s15] =	ssyncadd.s32 $0xFFFFD800  }
0xaa: {  	[spmem:s1] =	stream.indirect.scatter.add.f32 [tilespmem:s11], [sflag:$0x1], $0x80, s18, s13, $0xb8;
	[tilespmem:$0x17800] =	vst v63  }
0xab: {  	_ =	swait.ge [sflag:s15], $0x2800  }
0xac: {  	[sflag:s15] =	ssyncset.done $0x0  }
0xad: {  	[sflag:s15] =	ssyncadd.s32 $0xFFFFD800  }
0xae: {  	[spmem:s1] =	stream.indirect.scatter.add.f32 [tilespmem:s11], [sflag:$0x1], $0x80, s19, s13, $0xb8;
	[tilespmem:$0x17800] =	vst v63  }
0xaf: {  	_ =	swait.ge [sflag:s15], $0x2800  }
0xb0: {  	[sflag:s15] =	ssyncset.done $0x0  }
0xb1: {  	[sflag:s15] =	ssyncadd.s32 $0xFFFFD800  }
0xb2: {  	[spmem:s1] =	stream.indirect.scatter.add.f32 [tilespmem:s11], [sflag:$0x1], $0x80, s20, s13, $0xb8;
	[tilespmem:$0x17800] =	vst v63  }
0xb3: {  	_ =	swait.ge [sflag:s15], $0x2800  }
0xb4: {  	[sflag:s15] =	ssyncset.done $0x0  }
0xb5: {  	[sflag:s15] =	ssyncadd.s32 $0xFFFFD800  }
0xb6: {  	[spmem:s1] =	stream.indirect.scatter.add.f32 [tilespmem:s11], [sflag:$0x1], $0x80, s21, s13, $0xb8;
	[tilespmem:$0x17800] =	vst v63  }
0xb7: {  	_ =	swait.ge [sflag:s15], $0x2800  }
0xb8: {  	[sflag:s15] =	ssyncset.done $0x0  }
0xb9: {  	[sflag:s15] =	ssyncadd.s32 $0xFFFFD800  }
0xba: {  	[spmem:s1] =	stream.indirect.scatter.add.f32 [tilespmem:s11], [sflag:$0x1], $0x80, s22, s13, $0xb8;
	[tilespmem:$0x17800] =	vst v63  }
0xbb: {  	_ =	swait.ge [sflag:s15], $0x2800  }
0xbc: {  	[sflag:s15] =	ssyncset.done $0x0  }
0xbd: {  	[sflag:s15] =	ssyncadd.s32 $0xFFFFD800  }
0xbe: {  	[spmem:s1] =	stream.indirect.scatter.add.f32 [tilespmem:s11], [sflag:$0x1], $0x80, s23, s13, $0xb8;
	[tilespmem:$0x17800] =	vst v63  }
0xbf: {  	_ =	swait.ge [sflag:s15], $0x2800  }
0xc0: {  	[sflag:s15] =	ssyncset.done $0x0  }
0xc1: {  	[sflag:s15] =	ssyncadd.s32 $0xFFFFD800  }
0xc2: {  	[spmem:s1] =	stream.indirect.scatter.add.f32 [tilespmem:s11], [sflag:$0x1], $0x80, s24, s13, $0xb8;
	[tilespmem:$0x17800] =	vst v63  }
0xc3: {  	_ =	swait.ge [sflag:s15], $0x2800  }
0xc4: {  	[sflag:s15] =	ssyncset.done $0x0  }
0xc5: {  	[sflag:s15] =	ssyncadd.s32 $0xFFFFD800  }
0xc6: {  	[spmem:s1] =	stream.indirect.scatter.add.f32 [tilespmem:s11], [sflag:$0x1], $0x80, s25, s13, $0xb8;
	[tilespmem:$0x17800] =	vst v63  }
0xc7: {  	_ =	swait.ge [sflag:s15], $0x2800  }
0xc8: {  	[sflag:s15] =	ssyncset.done $0x0  }
0xc9: {  	[sflag:s15] =	ssyncadd.s32 $0xFFFFD800  }
0xca: {  	[spmem:s1] =	stream.indirect.scatter.add.f32 [tilespmem:s11], [sflag:$0x1], $0x80, s26, s13, $0xb8;
	[tilespmem:$0x17800] =	vst v63  }
0xcb: {  	_ =	swait.ge [sflag:s15], $0x2800  }
0xcc: {  	[sflag:s15] =	ssyncset.done $0x0  }
0xcd: {  	[sflag:s15] =	ssyncadd.s32 $0xFFFFD800  }
0xce: {  	[spmem:s1] =	stream.indirect.scatter.add.f32 [tilespmem:s11], [sflag:$0x1], $0x80, s28, s13, $0xb8;
	[tilespmem:$0x17800] =	vst v63  }
0xcf: {  	_ =	swait.ge [sflag:s15], $0x2800  }
0xd0: {  	[sflag:s15] =	ssyncset.done $0x0  }
0xd1: {  	[sflag:s15] =	ssyncadd.s32 $0xFFFFD800  }
0xd2: {  	[spmem:s1] =	stream.indirect.scatter.add.f32 [tilespmem:s11], [sflag:$0x1], $0x80, s29, s13, $0xb8;
	[tilespmem:$0x17800] =	vst v63  }
0xd3: {  	_ =	swait.ge [sflag:s15], $0x2800  }
0xd4: {  	[sflag:s15] =	ssyncset.done $0x0  }
0xd5: {  	[sflag:s15] =	ssyncadd.s32 $0xFFFFD800  }
0xd6: {  	[spmem:s1] =	stream.indirect.scatter.add.f32 [tilespmem:s11], [sflag:$0x1], $0x80, s30, s13, $0xb8;
	[tilespmem:$0x17800] =	vst v63  }
0xd7: {  	_ =	swait.ge [sflag:s15], $0x2800  }
0xd8: {  	[sflag:s15] =	ssyncset.done $0x0  }
0xd9: {  	[sflag:s15] =	ssyncadd.s32 $0xFFFFD800  }
0xda: {  	[spmem:s1] =	stream.indirect.scatter.add.f32 [tilespmem:s11], [sflag:$0x1], $0x80, s31, s13, $0xb8;
	[tilespmem:$0x17800] =	vst v63  }
0xdb: {  	_ =	swait.ge [sflag:s15], $0x2800  }
0xdc: {  	[sflag:s15] =	ssyncset.done $0x0  }
0xdd: {  	[sflag:s15] =	ssyncadd.s32 $0xFFFFD800  }
0xde: {  	[spmem:s1] =	stream.indirect.scatter.add.f32 [tilespmem:s11], [sflag:$0x1], $0x80, s0, s13, $0xb8;
	[tilespmem:$0x17800] =	vst v63  }
0xdf: {  	_ =	swait.ge [sflag:s15], $0x2800  }
0xe0: {  	[sflag:s15] =	ssyncset.done $0x0  }
0xe1: {  	[sflag:s15] =	ssyncadd.s32 $0xFFFFD800  }
0xe2: {  	[spmem:s1] =	stream.indirect.scatter.add.f32 [tilespmem:s11], [sflag:$0x1], $0x80, s2, s13, $0xb8;
	[tilespmem:$0x17800] =	vst v63  }
0xe3: {  	_ =	swait.ge [sflag:s15], $0x2800  }
0xe4: {  	[sflag:s15] =	ssyncset.done $0x0  }
0xe5: {  	[sflag:s15] =	ssyncadd.s32 $0xFFFFD800  }
0xe6: {  	[spmem:s1] =	stream.indirect.scatter.add.f32 [tilespmem:s11], [sflag:$0x1], $0x80, s4, s13, $0xb8;
	[tilespmem:$0x17800] =	vst v63  }
0xe7: {  	_ =	swait.ge [sflag:s15], $0x2800  }
0xe8: {  	[sflag:s15] =	ssyncset.done $0x0  }
0xe9: {  	[sflag:s15] =	ssyncadd.s32 $0xFFFFD800  }
0xea: {  	[spmem:s1] =	stream.indirect.scatter.add.f32 [tilespmem:s11], [sflag:$0x1], $0x80, s5, s13, $0xb8;
	[tilespmem:$0x17800] =	vst v63  }
0xeb: {  	_ =	swait.ge [sflag:s15], $0x2800  }
0xec: {  	[sflag:s15] =	ssyncset.done $0x0  }
0xed: {  	[sflag:s15] =	ssyncadd.s32 $0xFFFFD800  }
0xee: {  	[spmem:s1] =	stream.indirect.scatter.add.f32 [tilespmem:s11], [sflag:$0x1], $0x80, s7, s13, $0xb8;
	[tilespmem:$0x17800] =	vst v63  }
0xef: {  	_ =	swait.ge [sflag:s15], $0x2800  }
0xf0: {  	[sflag:s15] =	ssyncset.done $0x0  }
0xf1: {  	[sflag:s15] =	ssyncadd.s32 $0xFFFFD800  }
0xf2: {  	_ =	swait.ge [sflag:s15], $0x2800  }
0xf3: {  	[sflag:s15] =	ssyncset.done $0x0  }
0xf4: {  	[sflag:s15] =	ssyncadd.s32 $0xFFFFD800  }
0xf5: {  	_ =	swait.ge [sflag:s15], $0x2800  }
0xf6: {  	p0 =	sne.s32 s6, $0x800;
	[sflag:s15] =	ssyncset.done $0x0  }
.Ltmp0:
0xf7: {  	[sflag:s15] =	ssyncadd.s32 $0xFFFFD800;
	(pc) =	sbr.rel @p0 .LBB2_2-.Ltmp0, $4  }
0xf8: {  	_ =	swait.ge [sflag:s15], $0x2800  }
0xf9: {  	[sflag:s15] =	ssyncset.done $0x0  }
0xfa: {  	[sflag:s15] =	ssyncadd.s32 $0xFFFFD800  }
0xfb: {  	s6 =	sadd.s32 $0x200, s6;
	_ =	swait.ge [sflag:s15], $0x2800  }
0xfc: {  	[sflag:s15] =	ssyncset.done $0x0  }
0xfd: {  	[sflag:s15] =	ssyncadd.s32 $0xFFFFD800  }
0xfe: {  	[bflag:$0x0] =	sbarrier.arrive $0xFFFF  }
0xff: {  	s8 =	rddreg [dreg:$0x9]  }
0x100: {  	s6 =	rddreg [dreg:$0xa]  }
0x101: {  	s9 =	rddreg [dreg:$0xc]  }
0x102: {  	[hbm:s6], [sflag:s8] =	dma.local [spmem:s9], $0x2800  }
0x103: {  	_ =	swait.ge [sflag:s10], $0x2800  }
0x104: {  	s6 =	rddreg [dreg:$0xd]  }
0x105: {  	s8 =	sadd.s32 $0x1, s6;
	s6 =	rddreg [dreg:$0xb]  }
0x106: {  	p0 =	sne.s32 s8, s6  }
.Ltmp1:
0x107: {  	_ = 	snop;
	(pc) =	sbr.rel @p0 .LBB2_1-.Ltmp1, $3  }
0x108: {  	_ =	sdelay $0x1  }
0x109: {  	[sflag:s10] =	ssyncset.done $0x0;
	[dreg:$0xd] =	wrdreg s8  }
0x10a: {  	[sflag:s10] =	ssyncadd.s32 $0xFFFFD800;
	s8 =	rddreg [dreg:$0x9]  }
0x10b: {  	_ =	sfence.sel $0x180000  }
0x10c: {  	[bflag:$0x0] =	sbarrier.arrive $0xFFFF  }
0x10d: {  	_ =	strace $0x90000047  }
0x10e: {  	s0 =	stileid.u32;
	[bflag:$0x2] =	sbarrier.arrive $0xFFFF  }
0x10f: {  	p0 =	sne.s32 s0, $0x0;
	s0 =	rddreg [dreg:$0x2]  }
0x110: {  	s0 =	sadd.s32 @!p0 $0x100000, s0  }
0x111: {  	[sflag:s0] =	ssyncadd.tile.s32 @!p0 $0x1;
	_ =	shalt  }
.Lfunc_end2:
_tile_overlayer_lowered:
.L_overlay_start_2:
0x112: {  	(tag) =	ssettag $0x2  }
0x113: {  	s0 =	rddreg [dreg:$0x0];
	s2 =	stileid.u32  }
0x114: {  	s1 =	rddreg [dreg:$0x1];
	p0 =	sne.s32 s2, $0x0  }
0x115: {  	s3 =	rddreg [dreg:$0x2];
	[bflag:$0x3] =	sbarrier.arrive $0xFFFF;
	s2 =	simm.s32 @!p0 $0x1C02  }
0x116: {  	[timem:s3], [sflag:s2] =	dma.local @!p0 [hbm:s0], s1  }
0x117: {  	s0 =	simm.s32 @!p0 $0x2  }
0x118: {  	_ =	swait.ge @!p0 [sflag:s0], s1  }
0x119: {  	s1 =	ssub.s32 @!p0 $0x0, s1;
	[sflag:s0] =	ssyncset.done @!p0 $0x0  }
0x11a: {  	[sflag:s0] =	ssyncadd.s32 @!p0 s1  }
0x11b: {  	[bflag:$0x3] =	sbarrier.arrive $0xFFFF  }
0x11c: {  	_ =	shalt  }

</sc_bundles>
